<compile_context>
chip_gen: v7x
topology: tpu7x:2x2x1
jax: 0.10.2.dev20260603
libtpu: 0.0.44.dev20260713+nightly
codegen_flags: <defaults>
</compile_context>

<pallas_src>
import functools

import jax
import jax.numpy as jnp
from jax import lax
from jax.experimental import pallas as pl
from jax.experimental.pallas import tpu as pltpu
from jax.experimental.pallas import tpu_sc as plsc

VOCAB = 1000000
EMBED_DIM = 64
BATCH = 4096
SEQ = 50

NC = 2
NS = 16
NW = NC * NS

TOTAL = BATCH * SEQ
PER_W = TOTAL // NW
GATHER = 128
ROWS_PER_CHUNK = 640
G_PER_CHUNK = ROWS_PER_CHUNK // GATHER
CHUNKS = PER_W // ROWS_PER_CHUNK
IDX_ROWS = PER_W // GATHER


def _sc_gather(idx_hbm, table_hbm, out_hbm, idx_v, rows_v,
               gsem0, gsem1, wsem0, wsem1):
    wid = lax.axis_index("s") * NC + lax.axis_index("c")
    gsems = (gsem0, gsem1)
    wsems = (wsem0, wsem1)
    base = wid * PER_W
    pltpu.sync_copy(idx_hbm.at[pl.ds(wid * IDX_ROWS, IDX_ROWS)], idx_v)

    def issue_gathers(c, b):
        for j in range(G_PER_CHUNK):
            pltpu.async_copy(
                table_hbm.at[idx_v.at[c * G_PER_CHUNK + j]],
                rows_v.at[b, pl.ds(j * GATHER, GATHER)],
                gsems[b],
            )

    def wait_gathers(b):
        pltpu.make_async_copy(
            table_hbm.at[pl.ds(0, ROWS_PER_CHUNK)], rows_v.at[b], gsems[b]
        ).wait()

    def out_slice(c):
        return out_hbm.at[pl.ds(base + c * ROWS_PER_CHUNK, ROWS_PER_CHUNK)]

    issue_gathers(0, 0)

    @pl.loop(0, CHUNKS, step=2)
    def _chunk(c):
        for b in range(2):
            cc = c + b
            nxt = 1 - b
            @pl.when(cc + 1 < CHUNKS)
            def _():
                @pl.when(cc >= 1)
                def _():
                    pltpu.make_async_copy(
                        rows_v.at[nxt], out_slice(cc - 1), wsems[nxt]
                    ).wait()
                issue_gathers(cc + 1, nxt)

            wait_gathers(b)
            pltpu.async_copy(rows_v.at[b], out_slice(cc), wsems[b])

    for b in range(2):
        pltpu.make_async_copy(
            rows_v.at[b], out_slice(CHUNKS - 2 + b), wsems[b]
        ).wait()


@jax.jit
def _embed_lookup(q1, embed_weight):
    idx = q1.reshape(NW * IDX_ROWS, GATHER).astype(jnp.int32)
    run = pl.kernel(
        _sc_gather,
        out_type=jax.ShapeDtypeStruct((TOTAL, EMBED_DIM), jnp.float32),
        mesh=plsc.VectorSubcoreMesh(core_axis_name="c", subcore_axis_name="s"),
        scratch_types=[
            pltpu.VMEM((IDX_ROWS, GATHER), jnp.int32),
            pltpu.VMEM((2, ROWS_PER_CHUNK, EMBED_DIM), jnp.float32),
            pltpu.SemaphoreType.DMA,
            pltpu.SemaphoreType.DMA,
            pltpu.SemaphoreType.DMA,
            pltpu.SemaphoreType.DMA,
        ],
        compiler_params=pltpu.CompilerParams(use_tc_tiling_on_sc=False),
    )
    out = run(idx, embed_weight)
    return out.reshape(1, TOTAL, EMBED_DIM)


def kernel(q1, embed_weight):
    return _embed_lookup(q1, embed_weight)

# --- scband reference (transcript-rebuilt; emitter-appended) ---
"""Pipeline reference for scband-text-8443905704397 (READ-ONLY COPY).

The authoritative reference and input builder live on the scoring server;
editing this copy changes nothing except your own understanding.
"""

import jax, jax.numpy as jnp
import numpy as np

VOCAB = 1000000
EMBED_DIM = 64
BATCH = 4096
SEQ = 50

def setup_inputs(seed: int = 0) -> dict:
    key = jax.random.key(seed)
    k1, k2 = jax.random.split(key)
    q1 = jax.random.randint(k1, (BATCH, SEQ), 0, VOCAB, dtype=jnp.int64 if jax.config.jax_enable_x64 else jnp.int32)
    embed_weight = jax.random.normal(k2, (VOCAB, EMBED_DIM), dtype=jnp.float32)
    return {"q1": q1, "embed_weight": embed_weight}

def reference(q1, embed_weight):
    # q1 = self.embed(q1) -> gather rows of embedding table
    x = jnp.take(embed_weight, q1, axis=0)          # [B, L, D]
    # q1 = q1.unsqueeze(1)
    x = x[:, None, :, :]                            # [B, 1, L, D]
    # torch.cat(q1, 1): iterates over dim 0 (B tensors of [1, L, D])
    # and concatenates along dim 1 -> [1, B*L, D]. This is exactly a reshape.
    B, _, L, D = x.shape
    out = x.reshape(1, B * L, D)                    # [1, B*L, D]
    return out

if __name__ == "__main__":
    import jax
    _d = setup_inputs()
    print(jax.jit(kernel)(*tuple(_d.values())))

</pallas_src>

<mosaic_0001>
#map = affine_map<(d0, d1) -> (0, 0)>
module attributes {stable_mosaic.version = 14 : i64} {
  func.func @_sc_gather(%arg0: i32, %arg1: i32, %arg2: memref<1600x128xi32, #tpu.memory_space<hbm>>, %arg3: memref<1000000x64xf32, #tpu.memory_space<hbm>>, %arg4: memref<204800x64xf32, #tpu.memory_space<hbm>>, %arg5: memref<50x128xi32, #tpu.memory_space<vmem>>, %arg6: memref<2x640x64xf32, #tpu.memory_space<vmem>>, %arg7: memref<!tpu.dma_semaphore, #tpu.memory_space<semaphore_mem>>, %arg8: memref<!tpu.dma_semaphore, #tpu.memory_space<semaphore_mem>>, %arg9: memref<!tpu.dma_semaphore, #tpu.memory_space<semaphore_mem>>, %arg10: memref<!tpu.dma_semaphore, #tpu.memory_space<semaphore_mem>>) attributes {dimension_semantics = [#tpu.dimension_semantics<core_parallel>, #tpu.dimension_semantics<subcore_parallel>], iteration_bounds = array<i64: 2, 16>, scalar_prefetch = 0 : i64, scratch_operands = 6 : i64, tpu.core_type = #tpu.core_type<sc_vector_subcore>, window_params = [{transform_indices = #map}, {transform_indices = #map}, {transform_indices = #map}]} {
    %mul3A = arith.constant 2 : i32
    %mul3A_0 = arith.muli %arg1, %mul3A : i32
    %add3A = arith.addi %mul3A_0, %arg0 : i32
    %mul3A_1 = arith.constant 6400 : i32
    %mul3A_2 = arith.muli %add3A, %mul3A_1 : i32
    %mul3A_3 = arith.constant 50 : i32
    %mul3A_4 = arith.muli %add3A, %mul3A_3 : i32
    "tpu.region"() ({
      %run_scoped3A = tpu.sem_alloc : memref<!tpu.dma_semaphore, #tpu.memory_space<semaphore_mem>>
      %dma_start3A_97 = arith.constant 0 : i32
      %dma_start3A_98 = tpu.memref_slice %arg2[%mul3A_4, %dma_start3A_97] : memref<1600x128xi32, #tpu.memory_space<hbm>> -> memref<50x128xi32, #tpu.memory_space<hbm>>
      %dma_start3A_99 = arith.constant 0 : i32
      %dma_start3A_100 = tpu.memref_slice %arg2[%mul3A_4, %dma_start3A_99] : memref<1600x128xi32, #tpu.memory_space<hbm>> -> memref<50x128xi32, #tpu.memory_space<hbm>>
      tpu.enqueue_dma source(%dma_start3A_100 : memref<50x128xi32, #tpu.memory_space<hbm>>) target(%arg5 : memref<50x128xi32, #tpu.memory_space<vmem>>) target_semaphore(%run_scoped3A : memref<!tpu.dma_semaphore, #tpu.memory_space<semaphore_mem>>)
      %dma_wait3A_101 = arith.constant 0 : i32
      %dma_wait3A_102 = tpu.memref_slice %arg2[%mul3A_4, %dma_wait3A_101] : memref<1600x128xi32, #tpu.memory_space<hbm>> -> memref<50x128xi32, #tpu.memory_space<hbm>>
      %dma_wait3A_103 = arith.constant 0 : i32
      %dma_wait3A_104 = tpu.memref_slice %arg2[%mul3A_4, %dma_wait3A_103] : memref<1600x128xi32, #tpu.memory_space<hbm>> -> memref<50x128xi32, #tpu.memory_space<hbm>>
      tpu.wait_dma2 semaphore(%run_scoped3A : memref<!tpu.dma_semaphore, #tpu.memory_space<semaphore_mem>>) src(%dma_wait3A_104 : memref<50x128xi32, #tpu.memory_space<hbm>>) dst(%arg5 : memref<50x128xi32, #tpu.memory_space<vmem>>)
      tpu.yield
    }) : () -> ()
    %dma_start3A = arith.constant 0 : i32
    %dma_start3A_5 = arith.constant 0 : i32
    %dma_start3A_6 = arith.constant 0 : i32
    %dma_start3A_7 = arith.constant 0 : i32
    %dma_start3A_8 = tpu.memref_slice %arg6[%dma_start3A_5, %dma_start3A_6, %dma_start3A_7] : memref<2x640x64xf32, #tpu.memory_space<vmem>> -> memref<1x128x64xf32, #tpu.memory_space<vmem>>
    %dma_start3A_9 = tpu.memref_squeeze %dma_start3A_8 : memref<1x128x64xf32, #tpu.memory_space<vmem>> -> memref<128x64xf32, #tpu.memory_space<vmem>>
    %dma_start3A_10 = arith.constant 0 : i32
    %dma_start3A_11 = tpu.memref_slice %arg5[%dma_start3A, %dma_start3A_10] : memref<50x128xi32, #tpu.memory_space<vmem>> -> memref<1x128xi32, #tpu.memory_space<vmem>>
    %dma_start3A_12 = tpu.memref_squeeze %dma_start3A_11 : memref<1x128xi32, #tpu.memory_space<vmem>> -> memref<128xi32, #tpu.memory_space<vmem>>
    %dma_start3A_13 = arith.constant 0 : i32
    %dma_start3A_14 = arith.constant 0 : i32
    %dma_start3A_15 = tpu.memref_slice %arg3[%dma_start3A_13, %dma_start3A_14] : memref<1000000x64xf32, #tpu.memory_space<hbm>> -> memref<1000000x64xf32, #tpu.memory_space<hbm>>
    tpu.enqueue_indirect_dma source(%dma_start3A_15 : memref<1000000x64xf32, #tpu.memory_space<hbm>>) target(%dma_start3A_9 : memref<128x64xf32, #tpu.memory_space<vmem>>) offsets(%dma_start3A_12 : memref<128xi32, #tpu.memory_space<vmem>>) semaphore(%arg7 : memref<!tpu.dma_semaphore, #tpu.memory_space<semaphore_mem>>)
    %dma_start3A_16 = arith.constant 1 : i32
    %dma_start3A_17 = arith.constant 0 : i32
    %dma_start3A_18 = arith.constant 128 : i32
    %dma_start3A_19 = arith.constant 0 : i32
    %dma_start3A_20 = tpu.memref_slice %arg6[%dma_start3A_17, %dma_start3A_18, %dma_start3A_19] : memref<2x640x64xf32, #tpu.memory_space<vmem>> -> memref<1x128x64xf32, #tpu.memory_space<vmem>>
    %dma_start3A_21 = tpu.memref_squeeze %dma_start3A_20 : memref<1x128x64xf32, #tpu.memory_space<vmem>> -> memref<128x64xf32, #tpu.memory_space<vmem>>
    %dma_start3A_22 = arith.constant 0 : i32
    %dma_start3A_23 = tpu.memref_slice %arg5[%dma_start3A_16, %dma_start3A_22] : memref<50x128xi32, #tpu.memory_space<vmem>> -> memref<1x128xi32, #tpu.memory_space<vmem>>
    %dma_start3A_24 = tpu.memref_squeeze %dma_start3A_23 : memref<1x128xi32, #tpu.memory_space<vmem>> -> memref<128xi32, #tpu.memory_space<vmem>>
    %dma_start3A_25 = arith.constant 0 : i32
    %dma_start3A_26 = arith.constant 0 : i32
    %dma_start3A_27 = tpu.memref_slice %arg3[%dma_start3A_25, %dma_start3A_26] : memref<1000000x64xf32, #tpu.memory_space<hbm>> -> memref<1000000x64xf32, #tpu.memory_space<hbm>>
    tpu.enqueue_indirect_dma source(%dma_start3A_27 : memref<1000000x64xf32, #tpu.memory_space<hbm>>) target(%dma_start3A_21 : memref<128x64xf32, #tpu.memory_space<vmem>>) offsets(%dma_start3A_24 : memref<128xi32, #tpu.memory_space<vmem>>) semaphore(%arg7 : memref<!tpu.dma_semaphore, #tpu.memory_space<semaphore_mem>>)
    %dma_start3A_28 = arith.constant 2 : i32
    %dma_start3A_29 = arith.constant 0 : i32
    %dma_start3A_30 = arith.constant 256 : i32
    %dma_start3A_31 = arith.constant 0 : i32
    %dma_start3A_32 = tpu.memref_slice %arg6[%dma_start3A_29, %dma_start3A_30, %dma_start3A_31] : memref<2x640x64xf32, #tpu.memory_space<vmem>> -> memref<1x128x64xf32, #tpu.memory_space<vmem>>
    %dma_start3A_33 = tpu.memref_squeeze %dma_start3A_32 : memref<1x128x64xf32, #tpu.memory_space<vmem>> -> memref<128x64xf32, #tpu.memory_space<vmem>>
    %dma_start3A_34 = arith.constant 0 : i32
    %dma_start3A_35 = tpu.memref_slice %arg5[%dma_start3A_28, %dma_start3A_34] : memref<50x128xi32, #tpu.memory_space<vmem>> -> memref<1x128xi32, #tpu.memory_space<vmem>>
    %dma_start3A_36 = tpu.memref_squeeze %dma_start3A_35 : memref<1x128xi32, #tpu.memory_space<vmem>> -> memref<128xi32, #tpu.memory_space<vmem>>
    %dma_start3A_37 = arith.constant 0 : i32
    %dma_start3A_38 = arith.constant 0 : i32
    %dma_start3A_39 = tpu.memref_slice %arg3[%dma_start3A_37, %dma_start3A_38] : memref<1000000x64xf32, #tpu.memory_space<hbm>> -> memref<1000000x64xf32, #tpu.memory_space<hbm>>
    tpu.enqueue_indirect_dma source(%dma_start3A_39 : memref<1000000x64xf32, #tpu.memory_space<hbm>>) target(%dma_start3A_33 : memref<128x64xf32, #tpu.memory_space<vmem>>) offsets(%dma_start3A_36 : memref<128xi32, #tpu.memory_space<vmem>>) semaphore(%arg7 : memref<!tpu.dma_semaphore, #tpu.memory_space<semaphore_mem>>)
    %dma_start3A_40 = arith.constant 3 : i32
    %dma_start3A_41 = arith.constant 0 : i32
    %dma_start3A_42 = arith.constant 384 : i32
    %dma_start3A_43 = arith.constant 0 : i32
    %dma_start3A_44 = tpu.memref_slice %arg6[%dma_start3A_41, %dma_start3A_42, %dma_start3A_43] : memref<2x640x64xf32, #tpu.memory_space<vmem>> -> memref<1x128x64xf32, #tpu.memory_space<vmem>>
    %dma_start3A_45 = tpu.memref_squeeze %dma_start3A_44 : memref<1x128x64xf32, #tpu.memory_space<vmem>> -> memref<128x64xf32, #tpu.memory_space<vmem>>
    %dma_start3A_46 = arith.constant 0 : i32
    %dma_start3A_47 = tpu.memref_slice %arg5[%dma_start3A_40, %dma_start3A_46] : memref<50x128xi32, #tpu.memory_space<vmem>> -> memref<1x128xi32, #tpu.memory_space<vmem>>
    %dma_start3A_48 = tpu.memref_squeeze %dma_start3A_47 : memref<1x128xi32, #tpu.memory_space<vmem>> -> memref<128xi32, #tpu.memory_space<vmem>>
    %dma_start3A_49 = arith.constant 0 : i32
    %dma_start3A_50 = arith.constant 0 : i32
    %dma_start3A_51 = tpu.memref_slice %arg3[%dma_start3A_49, %dma_start3A_50] : memref<1000000x64xf32, #tpu.memory_space<hbm>> -> memref<1000000x64xf32, #tpu.memory_space<hbm>>
    tpu.enqueue_indirect_dma source(%dma_start3A_51 : memref<1000000x64xf32, #tpu.memory_space<hbm>>) target(%dma_start3A_45 : memref<128x64xf32, #tpu.memory_space<vmem>>) offsets(%dma_start3A_48 : memref<128xi32, #tpu.memory_space<vmem>>) semaphore(%arg7 : memref<!tpu.dma_semaphore, #tpu.memory_space<semaphore_mem>>)
    %dma_start3A_52 = arith.constant 4 : i32
    %dma_start3A_53 = arith.constant 0 : i32
    %dma_start3A_54 = arith.constant 512 : i32
    %dma_start3A_55 = arith.constant 0 : i32
    %dma_start3A_56 = tpu.memref_slice %arg6[%dma_start3A_53, %dma_start3A_54, %dma_start3A_55] : memref<2x640x64xf32, #tpu.memory_space<vmem>> -> memref<1x128x64xf32, #tpu.memory_space<vmem>>
    %dma_start3A_57 = tpu.memref_squeeze %dma_start3A_56 : memref<1x128x64xf32, #tpu.memory_space<vmem>> -> memref<128x64xf32, #tpu.memory_space<vmem>>
    %dma_start3A_58 = arith.constant 0 : i32
    %dma_start3A_59 = tpu.memref_slice %arg5[%dma_start3A_52, %dma_start3A_58] : memref<50x128xi32, #tpu.memory_space<vmem>> -> memref<1x128xi32, #tpu.memory_space<vmem>>
    %dma_start3A_60 = tpu.memref_squeeze %dma_start3A_59 : memref<1x128xi32, #tpu.memory_space<vmem>> -> memref<128xi32, #tpu.memory_space<vmem>>
    %dma_start3A_61 = arith.constant 0 : i32
    %dma_start3A_62 = arith.constant 0 : i32
    %dma_start3A_63 = tpu.memref_slice %arg3[%dma_start3A_61, %dma_start3A_62] : memref<1000000x64xf32, #tpu.memory_space<hbm>> -> memref<1000000x64xf32, #tpu.memory_space<hbm>>
    tpu.enqueue_indirect_dma source(%dma_start3A_63 : memref<1000000x64xf32, #tpu.memory_space<hbm>>) target(%dma_start3A_57 : memref<128x64xf32, #tpu.memory_space<vmem>>) offsets(%dma_start3A_60 : memref<128xi32, #tpu.memory_space<vmem>>) semaphore(%arg7 : memref<!tpu.dma_semaphore, #tpu.memory_space<semaphore_mem>>)
    %scan3A = arith.constant 0 : i32
    %scan3A_64 = arith.constant 5 : i32
    %scan3A_65 = arith.addi %scan3A, %scan3A_64 : i32
    %scan3A_66 = arith.constant 1 : i32
    scf.for %scan3A_97 = %scan3A to %scan3A_65 step %scan3A_66  : i32 {
      %mul3A_98 = arith.constant 2 : i32
      %mul3A_99 = arith.muli %scan3A_97, %mul3A_98 : i32
      %add3A_100 = arith.constant 0 : i32
      %add3A_101 = arith.addi %add3A_100, %mul3A_99 : i32
      %add3A_102 = arith.constant 0 : i32
      %add3A_103 = arith.addi %add3A_101, %add3A_102 : i32
      %add3A_104 = arith.constant 1 : i32
      %add3A_105 = arith.addi %add3A_103, %add3A_104 : i32
      %lt3A = arith.constant 10 : i32
      %lt3A_106 = arith.cmpi slt, %add3A_105, %lt3A : i32
      %convert_element_type3A = arith.extui %lt3A_106 : i1 to i32
      %cond3A = arith.constant 0 : i32
      %cond3A_107 = arith.cmpi ne, %convert_element_type3A, %cond3A : i32
      scf.if %cond3A_107 {
        %ge3A = arith.constant 1 : i32
        %ge3A_179 = arith.cmpi sge, %add3A_103, %ge3A : i32
        %convert_element_type3A_180 = arith.extui %ge3A_179 : i1 to i32
        %cond3A_181 = arith.constant 0 : i32
        %cond3A_182 = arith.cmpi ne, %convert_element_type3A_180, %cond3A_181 : i32
        scf.if %cond3A_182 {
          %sub3A = arith.constant 1 : i32
          %sub3A_260 = arith.subi %add3A_103, %sub3A : i32
          %mul3A_261 = arith.constant 640 : i32
          %mul3A_262 = arith.muli %sub3A_260, %mul3A_261 : i32
          %add3A_263 = arith.addi %mul3A_2, %mul3A_262 : i32
          %dma_wait3A_264 = arith.constant 1 : i32
          %dma_wait3A_265 = arith.constant 0 : i32
          %dma_wait3A_266 = arith.constant 0 : i32
          %dma_wait3A_267 = tpu.memref_slice %arg6[%dma_wait3A_264, %dma_wait3A_265, %dma_wait3A_266] : memref<2x640x64xf32, #tpu.memory_space<vmem>> -> memref<1x640x64xf32, #tpu.memory_space<vmem>>
          %dma_wait3A_268 = tpu.memref_squeeze %dma_wait3A_267 : memref<1x640x64xf32, #tpu.memory_space<vmem>> -> memref<640x64xf32, #tpu.memory_space<vmem>>
          %dma_wait3A_269 = arith.constant 0 : i32
          %dma_wait3A_270 = tpu.memref_slice %arg4[%add3A_263, %dma_wait3A_269] : memref<204800x64xf32, #tpu.memory_space<hbm>> -> memref<640x64xf32, #tpu.memory_space<hbm>>
          %dma_wait3A_271 = arith.constant 0 : i32
          %dma_wait3A_272 = tpu.memref_slice %arg4[%add3A_263, %dma_wait3A_271] : memref<204800x64xf32, #tpu.memory_space<hbm>> -> memref<640x64xf32, #tpu.memory_space<hbm>>
          %dma_wait3A_273 = arith.constant 0 : i32
          %dma_wait3A_274 = arith.constant 0 : i32
          %dma_wait3A_275 = tpu.memref_slice %arg6[%dma_wait3A_264, %dma_wait3A_273, %dma_wait3A_274] : memref<2x640x64xf32, #tpu.memory_space<vmem>> -> memref<1x640x64xf32, #tpu.memory_space<vmem>>
          %dma_wait3A_276 = tpu.memref_squeeze %dma_wait3A_275 : memref<1x640x64xf32, #tpu.memory_space<vmem>> -> memref<640x64xf32, #tpu.memory_space<vmem>>
          tpu.wait_dma2 semaphore(%arg10 : memref<!tpu.dma_semaphore, #tpu.memory_space<semaphore_mem>>) src(%dma_wait3A_276 : memref<640x64xf32, #tpu.memory_space<vmem>>) dst(%dma_wait3A_272 : memref<640x64xf32, #tpu.memory_space<hbm>>)
        } else {
        }
        %add3A_183 = arith.constant 1 : i32
        %add3A_184 = arith.addi %add3A_103, %add3A_183 : i32
        %mul3A_185 = arith.constant 5 : i32
        %mul3A_186 = arith.muli %add3A_184, %mul3A_185 : i32
        %add3A_187 = arith.constant 0 : i32
        %add3A_188 = arith.addi %mul3A_186, %add3A_187 : i32
        %dma_start3A_189 = arith.constant 1 : i32
        %dma_start3A_190 = arith.constant 0 : i32
        %dma_start3A_191 = arith.constant 0 : i32
        %dma_start3A_192 = tpu.memref_slice %arg6[%dma_start3A_189, %dma_start3A_190, %dma_start3A_191] : memref<2x640x64xf32, #tpu.memory_space<vmem>> -> memref<1x128x64xf32, #tpu.memory_space<vmem>>
        %dma_start3A_193 = tpu.memref_squeeze %dma_start3A_192 : memref<1x128x64xf32, #tpu.memory_space<vmem>> -> memref<128x64xf32, #tpu.memory_space<vmem>>
        %dma_start3A_194 = arith.constant 0 : i32
        %dma_start3A_195 = tpu.memref_slice %arg5[%add3A_188, %dma_start3A_194] : memref<50x128xi32, #tpu.memory_space<vmem>> -> memref<1x128xi32, #tpu.memory_space<vmem>>
        %dma_start3A_196 = tpu.memref_squeeze %dma_start3A_195 : memref<1x128xi32, #tpu.memory_space<vmem>> -> memref<128xi32, #tpu.memory_space<vmem>>
        %dma_start3A_197 = arith.constant 0 : i32
        %dma_start3A_198 = arith.constant 0 : i32
        %dma_start3A_199 = tpu.memref_slice %arg3[%dma_start3A_197, %dma_start3A_198] : memref<1000000x64xf32, #tpu.memory_space<hbm>> -> memref<1000000x64xf32, #tpu.memory_space<hbm>>
        tpu.enqueue_indirect_dma source(%dma_start3A_199 : memref<1000000x64xf32, #tpu.memory_space<hbm>>) target(%dma_start3A_193 : memref<128x64xf32, #tpu.memory_space<vmem>>) offsets(%dma_start3A_196 : memref<128xi32, #tpu.memory_space<vmem>>) semaphore(%arg8 : memref<!tpu.dma_semaphore, #tpu.memory_space<semaphore_mem>>)
        %mul3A_200 = arith.constant 5 : i32
        %mul3A_201 = arith.muli %add3A_184, %mul3A_200 : i32
        %add3A_202 = arith.constant 1 : i32
        %add3A_203 = arith.addi %mul3A_201, %add3A_202 : i32
        %dma_start3A_204 = arith.constant 1 : i32
        %dma_start3A_205 = arith.constant 128 : i32
        %dma_start3A_206 = arith.constant 0 : i32
        %dma_start3A_207 = tpu.memref_slice %arg6[%dma_start3A_204, %dma_start3A_205, %dma_start3A_206] : memref<2x640x64xf32, #tpu.memory_space<vmem>> -> memref<1x128x64xf32, #tpu.memory_space<vmem>>
        %dma_start3A_208 = tpu.memref_squeeze %dma_start3A_207 : memref<1x128x64xf32, #tpu.memory_space<vmem>> -> memref<128x64xf32, #tpu.memory_space<vmem>>
        %dma_start3A_209 = arith.constant 0 : i32
        %dma_start3A_210 = tpu.memref_slice %arg5[%add3A_203, %dma_start3A_209] : memref<50x128xi32, #tpu.memory_space<vmem>> -> memref<1x128xi32, #tpu.memory_space<vmem>>
        %dma_start3A_211 = tpu.memref_squeeze %dma_start3A_210 : memref<1x128xi32, #tpu.memory_space<vmem>> -> memref<128xi32, #tpu.memory_space<vmem>>
        %dma_start3A_212 = arith.constant 0 : i32
        %dma_start3A_213 = arith.constant 0 : i32
        %dma_start3A_214 = tpu.memref_slice %arg3[%dma_start3A_212, %dma_start3A_213] : memref<1000000x64xf32, #tpu.memory_space<hbm>> -> memref<1000000x64xf32, #tpu.memory_space<hbm>>
        tpu.enqueue_indirect_dma source(%dma_start3A_214 : memref<1000000x64xf32, #tpu.memory_space<hbm>>) target(%dma_start3A_208 : memref<128x64xf32, #tpu.memory_space<vmem>>) offsets(%dma_start3A_211 : memref<128xi32, #tpu.memory_space<vmem>>) semaphore(%arg8 : memref<!tpu.dma_semaphore, #tpu.memory_space<semaphore_mem>>)
        %mul3A_215 = arith.constant 5 : i32
        %mul3A_216 = arith.muli %add3A_184, %mul3A_215 : i32
        %add3A_217 = arith.constant 2 : i32
        %add3A_218 = arith.addi %mul3A_216, %add3A_217 : i32
        %dma_start3A_219 = arith.constant 1 : i32
        %dma_start3A_220 = arith.constant 256 : i32
        %dma_start3A_221 = arith.constant 0 : i32
        %dma_start3A_222 = tpu.memref_slice %arg6[%dma_start3A_219, %dma_start3A_220, %dma_start3A_221] : memref<2x640x64xf32, #tpu.memory_space<vmem>> -> memref<1x128x64xf32, #tpu.memory_space<vmem>>
        %dma_start3A_223 = tpu.memref_squeeze %dma_start3A_222 : memref<1x128x64xf32, #tpu.memory_space<vmem>> -> memref<128x64xf32, #tpu.memory_space<vmem>>
        %dma_start3A_224 = arith.constant 0 : i32
        %dma_start3A_225 = tpu.memref_slice %arg5[%add3A_218, %dma_start3A_224] : memref<50x128xi32, #tpu.memory_space<vmem>> -> memref<1x128xi32, #tpu.memory_space<vmem>>
        %dma_start3A_226 = tpu.memref_squeeze %dma_start3A_225 : memref<1x128xi32, #tpu.memory_space<vmem>> -> memref<128xi32, #tpu.memory_space<vmem>>
        %dma_start3A_227 = arith.constant 0 : i32
        %dma_start3A_228 = arith.constant 0 : i32
        %dma_start3A_229 = tpu.memref_slice %arg3[%dma_start3A_227, %dma_start3A_228] : memref<1000000x64xf32, #tpu.memory_space<hbm>> -> memref<1000000x64xf32, #tpu.memory_space<hbm>>
        tpu.enqueue_indirect_dma source(%dma_start3A_229 : memref<1000000x64xf32, #tpu.memory_space<hbm>>) target(%dma_start3A_223 : memref<128x64xf32, #tpu.memory_space<vmem>>) offsets(%dma_start3A_226 : memref<128xi32, #tpu.memory_space<vmem>>) semaphore(%arg8 : memref<!tpu.dma_semaphore, #tpu.memory_space<semaphore_mem>>)
        %mul3A_230 = arith.constant 5 : i32
        %mul3A_231 = arith.muli %add3A_184, %mul3A_230 : i32
        %add3A_232 = arith.constant 3 : i32
        %add3A_233 = arith.addi %mul3A_231, %add3A_232 : i32
        %dma_start3A_234 = arith.constant 1 : i32
        %dma_start3A_235 = arith.constant 384 : i32
        %dma_start3A_236 = arith.constant 0 : i32
        %dma_start3A_237 = tpu.memref_slice %arg6[%dma_start3A_234, %dma_start3A_235, %dma_start3A_236] : memref<2x640x64xf32, #tpu.memory_space<vmem>> -> memref<1x128x64xf32, #tpu.memory_space<vmem>>
        %dma_start3A_238 = tpu.memref_squeeze %dma_start3A_237 : memref<1x128x64xf32, #tpu.memory_space<vmem>> -> memref<128x64xf32, #tpu.memory_space<vmem>>
        %dma_start3A_239 = arith.constant 0 : i32
        %dma_start3A_240 = tpu.memref_slice %arg5[%add3A_233, %dma_start3A_239] : memref<50x128xi32, #tpu.memory_space<vmem>> -> memref<1x128xi32, #tpu.memory_space<vmem>>
        %dma_start3A_241 = tpu.memref_squeeze %dma_start3A_240 : memref<1x128xi32, #tpu.memory_space<vmem>> -> memref<128xi32, #tpu.memory_space<vmem>>
        %dma_start3A_242 = arith.constant 0 : i32
        %dma_start3A_243 = arith.constant 0 : i32
        %dma_start3A_244 = tpu.memref_slice %arg3[%dma_start3A_242, %dma_start3A_243] : memref<1000000x64xf32, #tpu.memory_space<hbm>> -> memref<1000000x64xf32, #tpu.memory_space<hbm>>
        tpu.enqueue_indirect_dma source(%dma_start3A_244 : memref<1000000x64xf32, #tpu.memory_space<hbm>>) target(%dma_start3A_238 : memref<128x64xf32, #tpu.memory_space<vmem>>) offsets(%dma_start3A_241 : memref<128xi32, #tpu.memory_space<vmem>>) semaphore(%arg8 : memref<!tpu.dma_semaphore, #tpu.memory_space<semaphore_mem>>)
        %mul3A_245 = arith.constant 5 : i32
        %mul3A_246 = arith.muli %add3A_184, %mul3A_245 : i32
        %add3A_247 = arith.constant 4 : i32
        %add3A_248 = arith.addi %mul3A_246, %add3A_247 : i32
        %dma_start3A_249 = arith.constant 1 : i32
        %dma_start3A_250 = arith.constant 512 : i32
        %dma_start3A_251 = arith.constant 0 : i32
        %dma_start3A_252 = tpu.memref_slice %arg6[%dma_start3A_249, %dma_start3A_250, %dma_start3A_251] : memref<2x640x64xf32, #tpu.memory_space<vmem>> -> memref<1x128x64xf32, #tpu.memory_space<vmem>>
        %dma_start3A_253 = tpu.memref_squeeze %dma_start3A_252 : memref<1x128x64xf32, #tpu.memory_space<vmem>> -> memref<128x64xf32, #tpu.memory_space<vmem>>
        %dma_start3A_254 = arith.constant 0 : i32
        %dma_start3A_255 = tpu.memref_slice %arg5[%add3A_248, %dma_start3A_254] : memref<50x128xi32, #tpu.memory_space<vmem>> -> memref<1x128xi32, #tpu.memory_space<vmem>>
        %dma_start3A_256 = tpu.memref_squeeze %dma_start3A_255 : memref<1x128xi32, #tpu.memory_space<vmem>> -> memref<128xi32, #tpu.memory_space<vmem>>
        %dma_start3A_257 = arith.constant 0 : i32
        %dma_start3A_258 = arith.constant 0 : i32
        %dma_start3A_259 = tpu.memref_slice %arg3[%dma_start3A_257, %dma_start3A_258] : memref<1000000x64xf32, #tpu.memory_space<hbm>> -> memref<1000000x64xf32, #tpu.memory_space<hbm>>
        tpu.enqueue_indirect_dma source(%dma_start3A_259 : memref<1000000x64xf32, #tpu.memory_space<hbm>>) target(%dma_start3A_253 : memref<128x64xf32, #tpu.memory_space<vmem>>) offsets(%dma_start3A_256 : memref<128xi32, #tpu.memory_space<vmem>>) semaphore(%arg8 : memref<!tpu.dma_semaphore, #tpu.memory_space<semaphore_mem>>)
      } else {
      }
      %dma_wait3A_108 = arith.constant 0 : i32
      %dma_wait3A_109 = arith.constant 0 : i32
      %dma_wait3A_110 = arith.constant 0 : i32
      %dma_wait3A_111 = tpu.memref_slice %arg6[%dma_wait3A_108, %dma_wait3A_109, %dma_wait3A_110] : memref<2x640x64xf32, #tpu.memory_space<vmem>> -> memref<1x640x64xf32, #tpu.memory_space<vmem>>
      %dma_wait3A_112 = tpu.memref_squeeze %dma_wait3A_111 : memref<1x640x64xf32, #tpu.memory_space<vmem>> -> memref<640x64xf32, #tpu.memory_space<vmem>>
      %dma_wait3A_113 = arith.constant 0 : i32
      %dma_wait3A_114 = arith.constant 0 : i32
      %dma_wait3A_115 = tpu.memref_slice %arg3[%dma_wait3A_113, %dma_wait3A_114] : memref<1000000x64xf32, #tpu.memory_space<hbm>> -> memref<640x64xf32, #tpu.memory_space<hbm>>
      %dma_wait3A_116 = arith.constant 0 : i32
      %dma_wait3A_117 = arith.constant 0 : i32
      %dma_wait3A_118 = tpu.memref_slice %arg6[%dma_wait3A_108, %dma_wait3A_116, %dma_wait3A_117] : memref<2x640x64xf32, #tpu.memory_space<vmem>> -> memref<1x640x64xf32, #tpu.memory_space<vmem>>
      %dma_wait3A_119 = tpu.memref_squeeze %dma_wait3A_118 : memref<1x640x64xf32, #tpu.memory_space<vmem>> -> memref<640x64xf32, #tpu.memory_space<vmem>>
      %dma_wait3A_120 = arith.constant 0 : i32
      %dma_wait3A_121 = arith.constant 0 : i32
      %dma_wait3A_122 = tpu.memref_slice %arg3[%dma_wait3A_120, %dma_wait3A_121] : memref<1000000x64xf32, #tpu.memory_space<hbm>> -> memref<640x64xf32, #tpu.memory_space<hbm>>
      tpu.wait_dma2 semaphore(%arg7 : memref<!tpu.dma_semaphore, #tpu.memory_space<semaphore_mem>>) src(%dma_wait3A_122 : memref<640x64xf32, #tpu.memory_space<hbm>>) dst(%dma_wait3A_119 : memref<640x64xf32, #tpu.memory_space<vmem>>)
      %mul3A_123 = arith.constant 640 : i32
      %mul3A_124 = arith.muli %add3A_103, %mul3A_123 : i32
      %add3A_125 = arith.addi %mul3A_2, %mul3A_124 : i32
      %dma_start3A_126 = arith.constant 0 : i32
      %dma_start3A_127 = arith.constant 0 : i32
      %dma_start3A_128 = arith.constant 0 : i32
      %dma_start3A_129 = tpu.memref_slice %arg6[%dma_start3A_126, %dma_start3A_127, %dma_start3A_128] : memref<2x640x64xf32, #tpu.memory_space<vmem>> -> memref<1x640x64xf32, #tpu.memory_space<vmem>>
      %dma_start3A_130 = tpu.memref_squeeze %dma_start3A_129 : memref<1x640x64xf32, #tpu.memory_space<vmem>> -> memref<640x64xf32, #tpu.memory_space<vmem>>
      %dma_start3A_131 = arith.constant 0 : i32
      %dma_start3A_132 = tpu.memref_slice %arg4[%add3A_125, %dma_start3A_131] : memref<204800x64xf32, #tpu.memory_space<hbm>> -> memref<640x64xf32, #tpu.memory_space<hbm>>
      %dma_start3A_133 = arith.constant 0 : i32
      %dma_start3A_134 = tpu.memref_slice %arg4[%add3A_125, %dma_start3A_133] : memref<204800x64xf32, #tpu.memory_space<hbm>> -> memref<640x64xf32, #tpu.memory_space<hbm>>
      %dma_start3A_135 = arith.constant 0 : i32
      %dma_start3A_136 = arith.constant 0 : i32
      %dma_start3A_137 = tpu.memref_slice %arg6[%dma_start3A_126, %dma_start3A_135, %dma_start3A_136] : memref<2x640x64xf32, #tpu.memory_space<vmem>> -> memref<1x640x64xf32, #tpu.memory_space<vmem>>
      %dma_start3A_138 = tpu.memref_squeeze %dma_start3A_137 : memref<1x640x64xf32, #tpu.memory_space<vmem>> -> memref<640x64xf32, #tpu.memory_space<vmem>>
      tpu.enqueue_dma source(%dma_start3A_138 : memref<640x64xf32, #tpu.memory_space<vmem>>) target(%dma_start3A_134 : memref<640x64xf32, #tpu.memory_space<hbm>>) target_semaphore(%arg9 : memref<!tpu.dma_semaphore, #tpu.memory_space<semaphore_mem>>)
      %add3A_139 = arith.constant 1 : i32
      %add3A_140 = arith.addi %add3A_101, %add3A_139 : i32
      %add3A_141 = arith.constant 1 : i32
      %add3A_142 = arith.addi %add3A_140, %add3A_141 : i32
      %lt3A_143 = arith.constant 10 : i32
      %lt3A_144 = arith.cmpi slt, %add3A_142, %lt3A_143 : i32
      %convert_element_type3A_145 = arith.extui %lt3A_144 : i1 to i32
      %cond3A_146 = arith.constant 0 : i32
      %cond3A_147 = arith.cmpi ne, %convert_element_type3A_145, %cond3A_146 : i32
      scf.if %cond3A_147 {
        %ge3A = arith.constant 1 : i32
        %ge3A_179 = arith.cmpi sge, %add3A_140, %ge3A : i32
        %convert_element_type3A_180 = arith.extui %ge3A_179 : i1 to i32
        %cond3A_181 = arith.constant 0 : i32
        %cond3A_182 = arith.cmpi ne, %convert_element_type3A_180, %cond3A_181 : i32
        scf.if %cond3A_182 {
          %sub3A = arith.constant 1 : i32
          %sub3A_260 = arith.subi %add3A_140, %sub3A : i32
          %mul3A_261 = arith.constant 640 : i32
          %mul3A_262 = arith.muli %sub3A_260, %mul3A_261 : i32
          %add3A_263 = arith.addi %mul3A_2, %mul3A_262 : i32
          %dma_wait3A_264 = arith.constant 0 : i32
          %dma_wait3A_265 = arith.constant 0 : i32
          %dma_wait3A_266 = arith.constant 0 : i32
          %dma_wait3A_267 = tpu.memref_slice %arg6[%dma_wait3A_264, %dma_wait3A_265, %dma_wait3A_266] : memref<2x640x64xf32, #tpu.memory_space<vmem>> -> memref<1x640x64xf32, #tpu.memory_space<vmem>>
          %dma_wait3A_268 = tpu.memref_squeeze %dma_wait3A_267 : memref<1x640x64xf32, #tpu.memory_space<vmem>> -> memref<640x64xf32, #tpu.memory_space<vmem>>
          %dma_wait3A_269 = arith.constant 0 : i32
          %dma_wait3A_270 = tpu.memref_slice %arg4[%add3A_263, %dma_wait3A_269] : memref<204800x64xf32, #tpu.memory_space<hbm>> -> memref<640x64xf32, #tpu.memory_space<hbm>>
          %dma_wait3A_271 = arith.constant 0 : i32
          %dma_wait3A_272 = tpu.memref_slice %arg4[%add3A_263, %dma_wait3A_271] : memref<204800x64xf32, #tpu.memory_space<hbm>> -> memref<640x64xf32, #tpu.memory_space<hbm>>
          %dma_wait3A_273 = arith.constant 0 : i32
          %dma_wait3A_274 = arith.constant 0 : i32
          %dma_wait3A_275 = tpu.memref_slice %arg6[%dma_wait3A_264, %dma_wait3A_273, %dma_wait3A_274] : memref<2x640x64xf32, #tpu.memory_space<vmem>> -> memref<1x640x64xf32, #tpu.memory_space<vmem>>
          %dma_wait3A_276 = tpu.memref_squeeze %dma_wait3A_275 : memref<1x640x64xf32, #tpu.memory_space<vmem>> -> memref<640x64xf32, #tpu.memory_space<vmem>>
          tpu.wait_dma2 semaphore(%arg9 : memref<!tpu.dma_semaphore, #tpu.memory_space<semaphore_mem>>) src(%dma_wait3A_276 : memref<640x64xf32, #tpu.memory_space<vmem>>) dst(%dma_wait3A_272 : memref<640x64xf32, #tpu.memory_space<hbm>>)
        } else {
        }
        %add3A_183 = arith.constant 1 : i32
        %add3A_184 = arith.addi %add3A_140, %add3A_183 : i32
        %mul3A_185 = arith.constant 5 : i32
        %mul3A_186 = arith.muli %add3A_184, %mul3A_185 : i32
        %add3A_187 = arith.constant 0 : i32
        %add3A_188 = arith.addi %mul3A_186, %add3A_187 : i32
        %dma_start3A_189 = arith.constant 0 : i32
        %dma_start3A_190 = arith.constant 0 : i32
        %dma_start3A_191 = arith.constant 0 : i32
        %dma_start3A_192 = tpu.memref_slice %arg6[%dma_start3A_189, %dma_start3A_190, %dma_start3A_191] : memref<2x640x64xf32, #tpu.memory_space<vmem>> -> memref<1x128x64xf32, #tpu.memory_space<vmem>>
        %dma_start3A_193 = tpu.memref_squeeze %dma_start3A_192 : memref<1x128x64xf32, #tpu.memory_space<vmem>> -> memref<128x64xf32, #tpu.memory_space<vmem>>
        %dma_start3A_194 = arith.constant 0 : i32
        %dma_start3A_195 = tpu.memref_slice %arg5[%add3A_188, %dma_start3A_194] : memref<50x128xi32, #tpu.memory_space<vmem>> -> memref<1x128xi32, #tpu.memory_space<vmem>>
        %dma_start3A_196 = tpu.memref_squeeze %dma_start3A_195 : memref<1x128xi32, #tpu.memory_space<vmem>> -> memref<128xi32, #tpu.memory_space<vmem>>
        %dma_start3A_197 = arith.constant 0 : i32
        %dma_start3A_198 = arith.constant 0 : i32
        %dma_start3A_199 = tpu.memref_slice %arg3[%dma_start3A_197, %dma_start3A_198] : memref<1000000x64xf32, #tpu.memory_space<hbm>> -> memref<1000000x64xf32, #tpu.memory_space<hbm>>
        tpu.enqueue_indirect_dma source(%dma_start3A_199 : memref<1000000x64xf32, #tpu.memory_space<hbm>>) target(%dma_start3A_193 : memref<128x64xf32, #tpu.memory_space<vmem>>) offsets(%dma_start3A_196 : memref<128xi32, #tpu.memory_space<vmem>>) semaphore(%arg7 : memref<!tpu.dma_semaphore, #tpu.memory_space<semaphore_mem>>)
        %mul3A_200 = arith.constant 5 : i32
        %mul3A_201 = arith.muli %add3A_184, %mul3A_200 : i32
        %add3A_202 = arith.constant 1 : i32
        %add3A_203 = arith.addi %mul3A_201, %add3A_202 : i32
        %dma_start3A_204 = arith.constant 0 : i32
        %dma_start3A_205 = arith.constant 128 : i32
        %dma_start3A_206 = arith.constant 0 : i32
        %dma_start3A_207 = tpu.memref_slice %arg6[%dma_start3A_204, %dma_start3A_205, %dma_start3A_206] : memref<2x640x64xf32, #tpu.memory_space<vmem>> -> memref<1x128x64xf32, #tpu.memory_space<vmem>>
        %dma_start3A_208 = tpu.memref_squeeze %dma_start3A_207 : memref<1x128x64xf32, #tpu.memory_space<vmem>> -> memref<128x64xf32, #tpu.memory_space<vmem>>
        %dma_start3A_209 = arith.constant 0 : i32
        %dma_start3A_210 = tpu.memref_slice %arg5[%add3A_203, %dma_start3A_209] : memref<50x128xi32, #tpu.memory_space<vmem>> -> memref<1x128xi32, #tpu.memory_space<vmem>>
        %dma_start3A_211 = tpu.memref_squeeze %dma_start3A_210 : memref<1x128xi32, #tpu.memory_space<vmem>> -> memref<128xi32, #tpu.memory_space<vmem>>
        %dma_start3A_212 = arith.constant 0 : i32
        %dma_start3A_213 = arith.constant 0 : i32
        %dma_start3A_214 = tpu.memref_slice %arg3[%dma_start3A_212, %dma_start3A_213] : memref<1000000x64xf32, #tpu.memory_space<hbm>> -> memref<1000000x64xf32, #tpu.memory_space<hbm>>
        tpu.enqueue_indirect_dma source(%dma_start3A_214 : memref<1000000x64xf32, #tpu.memory_space<hbm>>) target(%dma_start3A_208 : memref<128x64xf32, #tpu.memory_space<vmem>>) offsets(%dma_start3A_211 : memref<128xi32, #tpu.memory_space<vmem>>) semaphore(%arg7 : memref<!tpu.dma_semaphore, #tpu.memory_space<semaphore_mem>>)
        %mul3A_215 = arith.constant 5 : i32
        %mul3A_216 = arith.muli %add3A_184, %mul3A_215 : i32
        %add3A_217 = arith.constant 2 : i32
        %add3A_218 = arith.addi %mul3A_216, %add3A_217 : i32
        %dma_start3A_219 = arith.constant 0 : i32
        %dma_start3A_220 = arith.constant 256 : i32
        %dma_start3A_221 = arith.constant 0 : i32
        %dma_start3A_222 = tpu.memref_slice %arg6[%dma_start3A_219, %dma_start3A_220, %dma_start3A_221] : memref<2x640x64xf32, #tpu.memory_space<vmem>> -> memref<1x128x64xf32, #tpu.memory_space<vmem>>
        %dma_start3A_223 = tpu.memref_squeeze %dma_start3A_222 : memref<1x128x64xf32, #tpu.memory_space<vmem>> -> memref<128x64xf32, #tpu.memory_space<vmem>>
        %dma_start3A_224 = arith.constant 0 : i32
        %dma_start3A_225 = tpu.memref_slice %arg5[%add3A_218, %dma_start3A_224] : memref<50x128xi32, #tpu.memory_space<vmem>> -> memref<1x128xi32, #tpu.memory_space<vmem>>
        %dma_start3A_226 = tpu.memref_squeeze %dma_start3A_225 : memref<1x128xi32, #tpu.memory_space<vmem>> -> memref<128xi32, #tpu.memory_space<vmem>>
        %dma_start3A_227 = arith.constant 0 : i32
        %dma_start3A_228 = arith.constant 0 : i32
        %dma_start3A_229 = tpu.memref_slice %arg3[%dma_start3A_227, %dma_start3A_228] : memref<1000000x64xf32, #tpu.memory_space<hbm>> -> memref<1000000x64xf32, #tpu.memory_space<hbm>>
        tpu.enqueue_indirect_dma source(%dma_start3A_229 : memref<1000000x64xf32, #tpu.memory_space<hbm>>) target(%dma_start3A_223 : memref<128x64xf32, #tpu.memory_space<vmem>>) offsets(%dma_start3A_226 : memref<128xi32, #tpu.memory_space<vmem>>) semaphore(%arg7 : memref<!tpu.dma_semaphore, #tpu.memory_space<semaphore_mem>>)
        %mul3A_230 = arith.constant 5 : i32
        %mul3A_231 = arith.muli %add3A_184, %mul3A_230 : i32
        %add3A_232 = arith.constant 3 : i32
        %add3A_233 = arith.addi %mul3A_231, %add3A_232 : i32
        %dma_start3A_234 = arith.constant 0 : i32
        %dma_start3A_235 = arith.constant 384 : i32
        %dma_start3A_236 = arith.constant 0 : i32
        %dma_start3A_237 = tpu.memref_slice %arg6[%dma_start3A_234, %dma_start3A_235, %dma_start3A_236] : memref<2x640x64xf32, #tpu.memory_space<vmem>> -> memref<1x128x64xf32, #tpu.memory_space<vmem>>
        %dma_start3A_238 = tpu.memref_squeeze %dma_start3A_237 : memref<1x128x64xf32, #tpu.memory_space<vmem>> -> memref<128x64xf32, #tpu.memory_space<vmem>>
        %dma_start3A_239 = arith.constant 0 : i32
        %dma_start3A_240 = tpu.memref_slice %arg5[%add3A_233, %dma_start3A_239] : memref<50x128xi32, #tpu.memory_space<vmem>> -> memref<1x128xi32, #tpu.memory_space<vmem>>
        %dma_start3A_241 = tpu.memref_squeeze %dma_start3A_240 : memref<1x128xi32, #tpu.memory_space<vmem>> -> memref<128xi32, #tpu.memory_space<vmem>>
        %dma_start3A_242 = arith.constant 0 : i32
        %dma_start3A_243 = arith.constant 0 : i32
        %dma_start3A_244 = tpu.memref_slice %arg3[%dma_start3A_242, %dma_start3A_243] : memref<1000000x64xf32, #tpu.memory_space<hbm>> -> memref<1000000x64xf32, #tpu.memory_space<hbm>>
        tpu.enqueue_indirect_dma source(%dma_start3A_244 : memref<1000000x64xf32, #tpu.memory_space<hbm>>) target(%dma_start3A_238 : memref<128x64xf32, #tpu.memory_space<vmem>>) offsets(%dma_start3A_241 : memref<128xi32, #tpu.memory_space<vmem>>) semaphore(%arg7 : memref<!tpu.dma_semaphore, #tpu.memory_space<semaphore_mem>>)
        %mul3A_245 = arith.constant 5 : i32
        %mul3A_246 = arith.muli %add3A_184, %mul3A_245 : i32
        %add3A_247 = arith.constant 4 : i32
        %add3A_248 = arith.addi %mul3A_246, %add3A_247 : i32
        %dma_start3A_249 = arith.constant 0 : i32
        %dma_start3A_250 = arith.constant 512 : i32
        %dma_start3A_251 = arith.constant 0 : i32
        %dma_start3A_252 = tpu.memref_slice %arg6[%dma_start3A_249, %dma_start3A_250, %dma_start3A_251] : memref<2x640x64xf32, #tpu.memory_space<vmem>> -> memref<1x128x64xf32, #tpu.memory_space<vmem>>
        %dma_start3A_253 = tpu.memref_squeeze %dma_start3A_252 : memref<1x128x64xf32, #tpu.memory_space<vmem>> -> memref<128x64xf32, #tpu.memory_space<vmem>>
        %dma_start3A_254 = arith.constant 0 : i32
        %dma_start3A_255 = tpu.memref_slice %arg5[%add3A_248, %dma_start3A_254] : memref<50x128xi32, #tpu.memory_space<vmem>> -> memref<1x128xi32, #tpu.memory_space<vmem>>
        %dma_start3A_256 = tpu.memref_squeeze %dma_start3A_255 : memref<1x128xi32, #tpu.memory_space<vmem>> -> memref<128xi32, #tpu.memory_space<vmem>>
        %dma_start3A_257 = arith.constant 0 : i32
        %dma_start3A_258 = arith.constant 0 : i32
        %dma_start3A_259 = tpu.memref_slice %arg3[%dma_start3A_257, %dma_start3A_258] : memref<1000000x64xf32, #tpu.memory_space<hbm>> -> memref<1000000x64xf32, #tpu.memory_space<hbm>>
        tpu.enqueue_indirect_dma source(%dma_start3A_259 : memref<1000000x64xf32, #tpu.memory_space<hbm>>) target(%dma_start3A_253 : memref<128x64xf32, #tpu.memory_space<vmem>>) offsets(%dma_start3A_256 : memref<128xi32, #tpu.memory_space<vmem>>) semaphore(%arg7 : memref<!tpu.dma_semaphore, #tpu.memory_space<semaphore_mem>>)
      } else {
      }
      %dma_wait3A_148 = arith.constant 1 : i32
      %dma_wait3A_149 = arith.constant 0 : i32
      %dma_wait3A_150 = arith.constant 0 : i32
      %dma_wait3A_151 = tpu.memref_slice %arg6[%dma_wait3A_148, %dma_wait3A_149, %dma_wait3A_150] : memref<2x640x64xf32, #tpu.memory_space<vmem>> -> memref<1x640x64xf32, #tpu.memory_space<vmem>>
      %dma_wait3A_152 = tpu.memref_squeeze %dma_wait3A_151 : memref<1x640x64xf32, #tpu.memory_space<vmem>> -> memref<640x64xf32, #tpu.memory_space<vmem>>
      %dma_wait3A_153 = arith.constant 0 : i32
      %dma_wait3A_154 = arith.constant 0 : i32
      %dma_wait3A_155 = tpu.memref_slice %arg3[%dma_wait3A_153, %dma_wait3A_154] : memref<1000000x64xf32, #tpu.memory_space<hbm>> -> memref<640x64xf32, #tpu.memory_space<hbm>>
      %dma_wait3A_156 = arith.constant 0 : i32
      %dma_wait3A_157 = arith.constant 0 : i32
      %dma_wait3A_158 = tpu.memref_slice %arg6[%dma_wait3A_148, %dma_wait3A_156, %dma_wait3A_157] : memref<2x640x64xf32, #tpu.memory_space<vmem>> -> memref<1x640x64xf32, #tpu.memory_space<vmem>>
      %dma_wait3A_159 = tpu.memref_squeeze %dma_wait3A_158 : memref<1x640x64xf32, #tpu.memory_space<vmem>> -> memref<640x64xf32, #tpu.memory_space<vmem>>
      %dma_wait3A_160 = arith.constant 0 : i32
      %dma_wait3A_161 = arith.constant 0 : i32
      %dma_wait3A_162 = tpu.memref_slice %arg3[%dma_wait3A_160, %dma_wait3A_161] : memref<1000000x64xf32, #tpu.memory_space<hbm>> -> memref<640x64xf32, #tpu.memory_space<hbm>>
      tpu.wait_dma2 semaphore(%arg8 : memref<!tpu.dma_semaphore, #tpu.memory_space<semaphore_mem>>) src(%dma_wait3A_162 : memref<640x64xf32, #tpu.memory_space<hbm>>) dst(%dma_wait3A_159 : memref<640x64xf32, #tpu.memory_space<vmem>>)
      %mul3A_163 = arith.constant 640 : i32
      %mul3A_164 = arith.muli %add3A_140, %mul3A_163 : i32
      %add3A_165 = arith.addi %mul3A_2, %mul3A_164 : i32
      %dma_start3A_166 = arith.constant 1 : i32
      %dma_start3A_167 = arith.constant 0 : i32
      %dma_start3A_168 = arith.constant 0 : i32
      %dma_start3A_169 = tpu.memref_slice %arg6[%dma_start3A_166, %dma_start3A_167, %dma_start3A_168] : memref<2x640x64xf32, #tpu.memory_space<vmem>> -> memref<1x640x64xf32, #tpu.memory_space<vmem>>
      %dma_start3A_170 = tpu.memref_squeeze %dma_start3A_169 : memref<1x640x64xf32, #tpu.memory_space<vmem>> -> memref<640x64xf32, #tpu.memory_space<vmem>>
      %dma_start3A_171 = arith.constant 0 : i32
      %dma_start3A_172 = tpu.memref_slice %arg4[%add3A_165, %dma_start3A_171] : memref<204800x64xf32, #tpu.memory_space<hbm>> -> memref<640x64xf32, #tpu.memory_space<hbm>>
      %dma_start3A_173 = arith.constant 0 : i32
      %dma_start3A_174 = tpu.memref_slice %arg4[%add3A_165, %dma_start3A_173] : memref<204800x64xf32, #tpu.memory_space<hbm>> -> memref<640x64xf32, #tpu.memory_space<hbm>>
      %dma_start3A_175 = arith.constant 0 : i32
      %dma_start3A_176 = arith.constant 0 : i32
      %dma_start3A_177 = tpu.memref_slice %arg6[%dma_start3A_166, %dma_start3A_175, %dma_start3A_176] : memref<2x640x64xf32, #tpu.memory_space<vmem>> -> memref<1x640x64xf32, #tpu.memory_space<vmem>>
      %dma_start3A_178 = tpu.memref_squeeze %dma_start3A_177 : memref<1x640x64xf32, #tpu.memory_space<vmem>> -> memref<640x64xf32, #tpu.memory_space<vmem>>
      tpu.enqueue_dma source(%dma_start3A_178 : memref<640x64xf32, #tpu.memory_space<vmem>>) target(%dma_start3A_174 : memref<640x64xf32, #tpu.memory_space<hbm>>) target_semaphore(%arg10 : memref<!tpu.dma_semaphore, #tpu.memory_space<semaphore_mem>>)
    }
    %scan3A_67 = arith.constant 5 : i32
    %add3A_68 = arith.constant 5120 : i32
    %add3A_69 = arith.addi %mul3A_2, %add3A_68 : i32
    %dma_wait3A = arith.constant 0 : i32
    %dma_wait3A_70 = arith.constant 0 : i32
    %dma_wait3A_71 = arith.constant 0 : i32
    %dma_wait3A_72 = tpu.memref_slice %arg6[%dma_wait3A, %dma_wait3A_70, %dma_wait3A_71] : memref<2x640x64xf32, #tpu.memory_space<vmem>> -> memref<1x640x64xf32, #tpu.memory_space<vmem>>
    %dma_wait3A_73 = tpu.memref_squeeze %dma_wait3A_72 : memref<1x640x64xf32, #tpu.memory_space<vmem>> -> memref<640x64xf32, #tpu.memory_space<vmem>>
    %dma_wait3A_74 = arith.constant 0 : i32
    %dma_wait3A_75 = tpu.memref_slice %arg4[%add3A_69, %dma_wait3A_74] : memref<204800x64xf32, #tpu.memory_space<hbm>> -> memref<640x64xf32, #tpu.memory_space<hbm>>
    %dma_wait3A_76 = arith.constant 0 : i32
    %dma_wait3A_77 = tpu.memref_slice %arg4[%add3A_69, %dma_wait3A_76] : memref<204800x64xf32, #tpu.memory_space<hbm>> -> memref<640x64xf32, #tpu.memory_space<hbm>>
    %dma_wait3A_78 = arith.constant 0 : i32
    %dma_wait3A_79 = arith.constant 0 : i32
    %dma_wait3A_80 = tpu.memref_slice %arg6[%dma_wait3A, %dma_wait3A_78, %dma_wait3A_79] : memref<2x640x64xf32, #tpu.memory_space<vmem>> -> memref<1x640x64xf32, #tpu.memory_space<vmem>>
    %dma_wait3A_81 = tpu.memref_squeeze %dma_wait3A_80 : memref<1x640x64xf32, #tpu.memory_space<vmem>> -> memref<640x64xf32, #tpu.memory_space<vmem>>
    tpu.wait_dma2 semaphore(%arg9 : memref<!tpu.dma_semaphore, #tpu.memory_space<semaphore_mem>>) src(%dma_wait3A_81 : memref<640x64xf32, #tpu.memory_space<vmem>>) dst(%dma_wait3A_77 : memref<640x64xf32, #tpu.memory_space<hbm>>)
    %add3A_82 = arith.constant 5760 : i32
    %add3A_83 = arith.addi %mul3A_2, %add3A_82 : i32
    %dma_wait3A_84 = arith.constant 1 : i32
    %dma_wait3A_85 = arith.constant 0 : i32
    %dma_wait3A_86 = arith.constant 0 : i32
    %dma_wait3A_87 = tpu.memref_slice %arg6[%dma_wait3A_84, %dma_wait3A_85, %dma_wait3A_86] : memref<2x640x64xf32, #tpu.memory_space<vmem>> -> memref<1x640x64xf32, #tpu.memory_space<vmem>>
    %dma_wait3A_88 = tpu.memref_squeeze %dma_wait3A_87 : memref<1x640x64xf32, #tpu.memory_space<vmem>> -> memref<640x64xf32, #tpu.memory_space<vmem>>
    %dma_wait3A_89 = arith.constant 0 : i32
    %dma_wait3A_90 = tpu.memref_slice %arg4[%add3A_83, %dma_wait3A_89] : memref<204800x64xf32, #tpu.memory_space<hbm>> -> memref<640x64xf32, #tpu.memory_space<hbm>>
    %dma_wait3A_91 = arith.constant 0 : i32
    %dma_wait3A_92 = tpu.memref_slice %arg4[%add3A_83, %dma_wait3A_91] : memref<204800x64xf32, #tpu.memory_space<hbm>> -> memref<640x64xf32, #tpu.memory_space<hbm>>
    %dma_wait3A_93 = arith.constant 0 : i32
    %dma_wait3A_94 = arith.constant 0 : i32
    %dma_wait3A_95 = tpu.memref_slice %arg6[%dma_wait3A_84, %dma_wait3A_93, %dma_wait3A_94] : memref<2x640x64xf32, #tpu.memory_space<vmem>> -> memref<1x640x64xf32, #tpu.memory_space<vmem>>
    %dma_wait3A_96 = tpu.memref_squeeze %dma_wait3A_95 : memref<1x640x64xf32, #tpu.memory_space<vmem>> -> memref<640x64xf32, #tpu.memory_space<vmem>>
    tpu.wait_dma2 semaphore(%arg10 : memref<!tpu.dma_semaphore, #tpu.memory_space<semaphore_mem>>) src(%dma_wait3A_96 : memref<640x64xf32, #tpu.memory_space<vmem>>) dst(%dma_wait3A_92 : memref<640x64xf32, #tpu.memory_space<hbm>>)
    return
  }
}

</mosaic_0001>

<sc_bundles>
// kernel: _embed_lookup.3.cloned.1.call-start
scs
__scs_entry_jumppad:
0x0: {  	(pc) =	sbr.rel $0x88, $3  }
0x1: {  	(tag) =	ssettag $0x0;
	lr =	simm.s32 $0x1  }
0x2: {  	[smem:$0x3F9F] =	sst lr;
	_ =	strace $0xD0000000  }
0x3: {  	_ = 	snop  }
0x4: {  	_ = 	snop  }
0x5: {  	_ = 	snop  }
0x6: {  	_ = 	snop  }
0x7: {  	_ = 	snop  }
__scs_overlays_trampoline_lowered:
0x8: {  	[smem:$0x3FAE] =	sst s0  }
0x9: {  	[smem:$0x3FAF] =	sst s1  }
0xa: {  	[smem:$0x3FB0] =	sst s2  }
0xb: {  	[smem:$0x3FB1] =	sst s3  }
0xc: {  	[smem:$0x3FB2] =	sst s4  }
0xd: {  	[smem:$0x3FB3] =	sst s5  }
0xe: {  	[smem:$0x3FB4] =	sst s6  }
0xf: {  	[smem:$0x3FB5] =	sst s7  }
0x10: {  	[smem:$0x3FB6] =	sst s8  }
0x11: {  	[smem:$0x3FB7] =	sst s9;
	s0 =	simm.s32 @!p0 $0x0  }
0x12: {  	s1 =	sld [smem:$0x3F9D];
	s0 =	simm.s32 @p0 $0x1  }
0x13: {  	[smem:$0x3FB8] =	sst s0;
	s0 =	simm.s32 @!p1 $0x0  }
0x14: {  	s2 =	sld [smem:$0x3F9C];
	s0 =	simm.s32 @p1 $0x1  }
0x15: {  	[smem:$0x3FB9] =	sst s0;
	s0 =	simm.s32 @!p2 $0x0  }
0x16: {  	s3 =	sld [smem:$0x3FDB];
	s0 =	simm.s32 @p2 $0x1  }
0x17: {  	s4 =	simm.s32 $0x1BF5;
	[smem:$0x3FBB] =	sst s0  }
0x18: {  	s0 =	sld [smem:$0x3F9E];
	_ =	swait.ge [sflag:s4], $0x0  }
0x19: {  	s7 =	sld [smem:$0x3F9F]  }
0x1a: {  	s8 =	sadd.s32 $0xFFFFE003, lr  }
0x1b: {  	s9 =	sadd.s32 $0xFFFFFEF7, lr;
	s5 =	simm.s32 $0xFFFFFFFF;
	p2 =	slt.u32 s8, $0xFFFFF086  }
0x1c: {  	p1 =	slt.u32 s9, $0xF7A;
	s5 =	simm.s32 @!p2 $0x0  }
0x1d: {  	s5 =	simm.s32 @p1 $0x1;
	p0 =	seq.s32 s7, s2  }
0x1e: {  	s7 =	smul.u32 @!p0 $0xF7A, s2;
	p2 =	seq.s32 @!p0 s5, $0x0  }
0x1f: {  	s9 =	smul.u32 $0xF7A, s1;
	s8 =	simm.s32 @!p0 $0x1BF5;
	p2 =	por !p2, p0  }
0x20: {  	[sflag:s8] =	ssyncset.s32 @!p0 $0xFFFFF086;
	s6 =	sadd.s32 @!p0 s3, s7;
	s7 =	simm.s32 @!p0 $0x108  }
0x21: {  	s3 =	sadd.s32 s3, s9;
	s6 =	sadd.s32 @!p0 $0x88, s6;
	s7 =	simm.s32 @p2 $0x1082  }
0x22: {  	[simem:s7], [sflag:s8] =	dma.local @!p0 [hbm:s6], $0xF7A  }
0x23: {  	s9 =	sor.u32 $0xD0000000, s2;
	s6 =	simm.s32 $0x108;
	_ =	swait.ge @!p0 [sflag:s8], $0x0  }
0x24: {  	s3 =	sadd.s32 $0x88, s3;
	s6 =	simm.s32 @!p1 $0x1082;
	[sflag:s4] =	ssyncset.s32 $0xFFFFF086  }
0x25: {  	[simem:s6], [sflag:s4] =	dma.local [hbm:s3], $0xF7A  }
0x26: {  	[smem:$0x3F9F] =	sst s1;
	(tag) =	ssettag s2;
	_ =	strace s9  }
0x27: {  	s1 =	sld [smem:$0x3FAF]  }
0x28: {  	s2 =	sld [smem:$0x3FB0]  }
0x29: {  	s4 =	sld [smem:$0x3FB2]  }
0x2a: {  	p0 =	seq.s32 s5, $0x0;
	s5 =	sld [smem:$0x3FB3]  }
0x2b: {  	s6 =	sld [smem:$0x3FB4]  }
0x2c: {  	s7 =	sld [smem:$0x3FB5]  }
0x2d: {  	s3 =	simm.s32 $0x108;
	s8 =	sld [smem:$0x3FB6]  }
0x2e: {  	s3 =	simm.s32 @!p0 $0x1082;
	s9 =	sld [smem:$0x3FB7]  }
0x2f: {  	lr =	sadd.s32 s0, s3;
	s0 =	sld [smem:$0x3FAE]  }
0x30: {  	s3 =	sld [smem:$0x3FB1]  }
0x31: {  	[smem:$0x3FBA] =	sst s10  }
0x32: {  	s10 =	sld [smem:$0x3FB8];
	_ =	sdelay $0x3  }
0x33: {  	p0 =	seq.s32 s10, $0x1;
	s10 =	sld [smem:$0x3FBA];
	_ =	sdelay $0x3  }
0x34: {  	[smem:$0x3FBA] =	sst s10  }
0x35: {  	s10 =	sld [smem:$0x3FB9];
	_ =	sdelay $0x3  }
0x36: {  	p1 =	seq.s32 s10, $0x1;
	s10 =	sld [smem:$0x3FBA];
	_ =	sdelay $0x3  }
0x37: {  	[smem:$0x3FBA] =	sst s10  }
0x38: {  	s10 =	sld [smem:$0x3FBB]  }
0x39: {  	_ = 	snop;
	(pc) =	sbr.ind lr, $3  }
0x3a: {  	_ = 	snop  }
0x3b: {  	_ = 	snop  }
0x3c: {  	p2 =	seq.s32 s10, $0x1;
	s10 =	sld [smem:$0x3FBA]  }
0x3d: {  	_ =	shalt  }
0x3e: {  	_ =	shalt  }
0x3f: {  	_ =	shalt  }
0x40: {  	_ =	shalt  }
0x41: {  	_ =	shalt  }
0x42: {  	_ =	shalt  }
0x43: {  	_ =	shalt  }
0x44: {  	_ =	shalt  }
0x45: {  	_ =	shalt  }
0x46: {  	_ =	shalt  }
0x47: {  	_ =	shalt  }
0x48: {  	_ =	shalt  }
0x49: {  	_ =	shalt  }
0x4a: {  	_ =	shalt  }
0x4b: {  	_ =	shalt  }
0x4c: {  	_ =	shalt  }
0x4d: {  	_ =	shalt  }
0x4e: {  	_ =	shalt  }
0x4f: {  	_ =	shalt  }
0x50: {  	_ =	shalt  }
0x51: {  	_ =	shalt  }
0x52: {  	_ =	shalt  }
0x53: {  	_ =	shalt  }
0x54: {  	_ =	shalt  }
0x55: {  	_ =	shalt  }
0x56: {  	_ =	shalt  }
0x57: {  	_ =	shalt  }
0x58: {  	_ =	shalt  }
0x59: {  	_ =	shalt  }
0x5a: {  	_ =	shalt  }
0x5b: {  	_ =	shalt  }
0x5c: {  	_ =	shalt  }
0x5d: {  	_ =	shalt  }
0x5e: {  	_ =	shalt  }
0x5f: {  	_ =	shalt  }
0x60: {  	_ =	shalt  }
0x61: {  	_ =	shalt  }
0x62: {  	_ =	shalt  }
0x63: {  	_ =	shalt  }
0x64: {  	_ =	shalt  }
0x65: {  	_ =	shalt  }
0x66: {  	_ =	shalt  }
0x67: {  	_ =	shalt  }
0x68: {  	_ =	shalt  }
0x69: {  	_ =	shalt  }
0x6a: {  	_ =	shalt  }
0x6b: {  	_ =	shalt  }
0x6c: {  	_ =	shalt  }
0x6d: {  	_ =	shalt  }
0x6e: {  	_ =	shalt  }
0x6f: {  	_ =	shalt  }
0x70: {  	_ =	shalt  }
0x71: {  	_ =	shalt  }
0x72: {  	_ =	shalt  }
0x73: {  	_ =	shalt  }
0x74: {  	_ =	shalt  }
0x75: {  	_ =	shalt  }
0x76: {  	_ =	shalt  }
0x77: {  	_ =	shalt  }
0x78: {  	_ =	shalt  }
0x79: {  	_ =	shalt  }
0x7a: {  	_ =	shalt  }
0x7b: {  	_ =	shalt  }
0x7c: {  	_ =	shalt  }
0x7d: {  	_ =	shalt  }
0x7e: {  	_ =	shalt  }
0x7f: {  	_ =	shalt  }
0x80: {  	_ =	shalt  }
0x81: {  	_ =	shalt  }
0x82: {  	_ =	shalt  }
0x83: {  	_ =	shalt  }
0x84: {  	_ =	shalt  }
0x85: {  	_ =	shalt  }
0x86: {  	_ =	shalt  }
0x87: {  	_ =	shalt  }
.Lfunc_end0:
.L_simem_size_0:
called_computation.1_lowered:
.L_overlay_start_0:
0x88: {  	s2 =	sld [smem:$0x3FD9]  }
0x89: {  	s3 =	sld [smem:$0x3FFE];
	_ =	sdelay $0x1  }
0x8a: {  	s1 =	srdreg.scid  }
0x8b: {  	s0 =	sand.u32 $0x1, s1  }
0x8c: {  	s17 =	sshll.u32 s0, $0xA;
	s2 =	sadd.s32 s3, s2  }
0x8d: {  	s2 =	sadd.s32 s2, s17  }
0x8e: {  	[smem:$0x3FC6] =	sst s2  }
0x8f: {  	_ = 	snop  }
0x90: {  	s2 =	sld [smem:$0x3FD0];
	(tm) =	ssettm $0x1  }
0x91: {  	s18 =	sld [smem:$0x3FFB];
	_ =	sdelay $0x3  }
0x92: {  	_ =	strace s18  }
0x93: {  	s3 =	sld [smem:$0x3FFC];
	_ =	sdelay $0x3  }
0x94: {  	_ =	strace s3  }
0x95: {  	s3 =	sld [smem:$0x3FFD];
	_ =	sdelay $0x3  }
0x96: {  	_ =	strace s3  }
0x97: {  	_ =	strace $0x8FFFFFFF  }
0x98: {  	s19 =	sld [smem:$0x3FDB];
	_ =	sdelay $0x1  }
0x99: {  	s4 =	simm.s32 $_scs_section_size  }
0x9a: {  	s5 =	simm.s32 $_size__tile_overlayer_lowered;
	s6 =	simm.s32 $_tile_overlayer_lowered  }
0x9b: {  	s22 =	simm.s32 $0x1BFF;
	s21 =	sshll.u32 s6, $0x1;
	s3 =	sadd.s32 s4, s19  }
0x9c: {  	s7 =	simm.s32 $0x0;
	s20 =	sshll.u32 s5, $0x1;
	s5 =	sadd.s32 s21, s3  }
0x9d: {  	[timem:s7], [sflag:s22] =	dma.local [hbm:s5], s20  }
0x9e: {  	_ =	swait.ge [sflag:s22], s20  }
0x9f: {  	s4 =	ssub.s32 $0x0, s20;
	[sflag:s22] =	ssyncset.done $0x0  }
0xa0: {  	[sflag:s22] =	ssyncadd.s32 s4;
	_ =	sdelay $0x1  }
0xa1: {  	s23 =	simm.s32 $0x1B8B  }
0xa2: {  	_ =	swait.ge [sflag:s23], $0x1  }
0xa3: {  	[sflag:s23] =	ssyncset.done $0x0  }
0xa4: {  	s25 =	simm.s32 $0x1B8E;
	s24 =	sld [smem:$0x3FFE];
	[sflag:s23] =	ssyncadd.s32 $0xFFFFFFFF  }
0xa5: {  	s26 =	simm.s32 $execute0_lowered;
	[smem:$0x3FD2] =	sst s25  }
0xa6: {  	s5 =	sshll.u32 s26, $0x1;
	_ =	strace $0x80000046;
	[dreg:$0x1] =	wrdreg $0xFFFFFFFF  }
0xa7: {  	s28 =	simm.s32 $_size_execute0_lowered;
	s3 =	sadd.s32 s3, s5;
	[dreg:$0x0] =	wrdreg $0x0  }
0xa8: {  	s5 =	sshll.u32 s28, $0x1;
	[dreg:$0x2] =	wrdreg s3  }
0xa9: {  	[dreg:$0x3] =	wrdreg s5  }
0xaa: {  	[dreg:$0x4] =	wrdreg $0xC0  }
0xab: {  	_ =	task [dreg:s7], $0x5FFFF  }
0xac: {  	[dreg:$0x1] =	wrdreg $0xFFFFFFFF  }
0xad: {  	[dreg:$0x0] =	wrdreg $0x60  }
0xae: {  	[dreg:$0x2] =	wrdreg s24  }
0xaf: {  	[dreg:$0x3] =	wrdreg s2  }
0xb0: {  	[dreg:$0x4] =	wrdreg $0x9  }
0xb1: {  	_ =	task.clear_ibuf [dreg:s7], $0x5FFFF;
	_ =	strace $0x90000046  }
0xb2: {  	s29 =	simm.s32 $0x9;
	_ =	strace $0x80000048  }
0xb3: {  	_ =	swait.ge [sflag:s29], $0x1  }
0xb4: {  	[sflag:s29] =	ssyncadd.s32 $0xFFFFFFFF  }
0xb5: {  	_ =	strace $0x90000048  }
0xb6: {  	_ =	sfence  }
0xb7: {  	s30 =	sld [smem:$0x0];
	_ =	sdelay $0x2  }
0xb8: {  	s31 =	sshll.u32 s1, $0xD;
	s1 =	sshrl.u32 s1, $0x2  }
0xb9: {  	s3 =	sand.u32 $0x4000, s31;
	s1 =	sadd.s32 s1, s30  }
0xba: {  	s0 =	sor.u32 s3, s0;
	s1 =	sshll.u32 s1, $0x11  }
0xbb: {  	s0 =	sor.u32 s1, s0  }
0xbc: {  	s0 =	sadd.s32 $0x8F2B, s0  }
0xbd: {  	[sflag:s0] =	ssyncadd.remote.s32 $0x1  }
0xbe: {  	_ =	sfence.sel $0xFFFF  }
0xbf: {  	[dreg:$0x0] =	wrdreg $0xFFFFFFFF;
	(pc) =	sbr.abs _section_cstart, $3  }
0xc0: {  	[dreg:$0x1] =	wrdreg $0xFFFFFFFF  }
0xc1: {  	_ =	task.clear_ibuf [dreg:s7], $0x2FFFF;
	_ =	strace $0x9FFFFFFF  }
0xc2: {  	(tm) =	ssettm $0x7FFFFFFF  }
0xc3: {  	_ =	shalt  }
tec
execute0_lowered:
.L_overlay_start_1:
0x0: {  	(tag) =	ssettag $0x1  }
0x1: {  	s3 =	rddreg [dreg:$0x0]  }
0x2: {  	s4 =	rddreg [dreg:$0x1];
	s2 =	simm.s32 $0x0  }
0x3: {  	s6 =	simm.s32 $0x180;
	[smem:$0x7FF] =	sst s2  }
0x4: {  	s7 =	simm.s32 $0x200;
	_ =	strace $0x80000047;
	[dreg:$0xe] =	wrdreg s6  }
0x5: {  	s8 =	simm.s32 $0x280;
	[dreg:$0xf] =	wrdreg s7  }
0x6: {  	s9 =	simm.s32 $0x300;
	[dreg:$0x10] =	wrdreg s8  }
0x7: {  	s10 =	simm.s32 $0x380;
	[dreg:$0x11] =	wrdreg s9  }
0x8: {  	s11 =	simm.s32 $0x400;
	[dreg:$0x12] =	wrdreg s10  }
0x9: {  	s12 =	simm.s32 $0x480;
	[dreg:$0x13] =	wrdreg s11  }
0xa: {  	s0 =	srdreg.scid;
	s13 =	simm.s32 $0x500;
	[dreg:$0x14] =	wrdreg s12  }
0xb: {  	s20 =	stileid.u32;
	s14 =	simm.s32 $0x580;
	[dreg:$0x15] =	wrdreg s13  }
0xc: {  	s15 =	simm.s32 $0x600;
	s16 =	simm.s32 $0x680;
	[dreg:$0x16] =	wrdreg s14  }
0xd: {  	s1 =	sand.u32 $0x1, s0;
	s17 =	sshll.u32 s20, $0x1;
	[dreg:$0x17] =	wrdreg s15  }
0xe: {  	s0 =	sor.u32 s1, s17;
	[dreg:$0x18] =	wrdreg s16;
	s17 =	simm.s32 $0x700  }
0xf: {  	s6 =	simm.s32 $0xB00;
	[dreg:$0x19] =	wrdreg s17  }
0x10: {  	s7 =	simm.s32 $0xB80;
	[smem:$0x7EC] =	sst s6  }
0x11: {  	s8 =	simm.s32 $0xC00;
	[smem:$0x7ED] =	sst s7  }
0x12: {  	s9 =	simm.s32 $0xC80;
	[smem:$0x7EE] =	sst s8  }
0x13: {  	s10 =	simm.s32 $0xD00;
	[smem:$0x7EF] =	sst s9  }
0x14: {  	s11 =	simm.s32 $0xD80;
	[smem:$0x7F0] =	sst s10  }
0x15: {  	s12 =	simm.s32 $0xE00;
	[smem:$0x7F1] =	sst s11  }
0x16: {  	s13 =	simm.s32 $0xE80;
	[smem:$0x7F2] =	sst s12  }
0x17: {  	s15 =	simm.s32 $0xF00;
	s5 =	smul.u32 $0x320, s0;
	[smem:$0x7F3] =	sst s13  }
0x18: {  	s16 =	simm.s32 $0xF80;
	s0 =	smul.u32 $0xC800, s0;
	[smem:$0x7F4] =	sst s15  }
0x19: {  	[smem:$0x7F5] =	sst s16;
	s17 =	simm.s32 $0x1000;
	s5 =	sadd.s32 s5, s3  }
0x1a: {  	[smem:$0x7F6] =	sst s17;
	s19 =	sadd.s32 s4, s0;
	s5 =	sadd.s32 $0xA00, s5  }
0x1b: {  	s31 =	simm.s32 $0x5;
	s0 =	sadd.s32 $0x1400, s19;
	[dreg:$0x3] =	wrdreg s5  }
0x1c: {  	s28 =	simm.s32 $0x1480;
	s18 =	sadd.s32 $0x2800, s19;
	[dreg:$0x4] =	wrdreg s0  }
0x1d: {  	s29 =	simm.s32 $0x1500;
	s21 =	sadd.s32 $0x3C00, s19;
	[dreg:$0x5] =	wrdreg s18  }
0x1e: {  	s30 =	simm.s32 $0x1580;
	s22 =	sadd.s32 $0x5000, s19;
	[dreg:$0x6] =	wrdreg s21  }
0x1f: {  	p0 =	por $0x0, $0x0;
	s23 =	sadd.s32 $0x6400, s19;
	[dreg:$0x7] =	wrdreg s22  }
0x20: {  	s1 =	ssub.s32 $0x2, s1;
	s24 =	sadd.s32 $0x7800, s19;
	[dreg:$0x8] =	wrdreg s23  }
0x21: {  	s14 =	simm.s32 $0x9900;
	s25 =	sadd.s32 $0x8C00, s19;
	[dreg:$0x9] =	wrdreg s24  }
0x22: {  	s7 =	simm.s32 $0x3900;
	s26 =	sadd.s32 $0xA000, s19;
	[dreg:$0xa] =	wrdreg s25  }
0x23: {  	s9 =	simm.s32 $0x5900;
	s4 =	sadd.s32 $0xB400, s19;
	[dreg:$0xb] =	wrdreg s26  }
0x24: {  	s11 =	simm.s32 $0x7900;
	[dreg:$0xc] =	wrdreg s4;
	s5 =	simm.s32 $0x100  }
0x25: {  	s6 =	simm.s32 $0xB900;
	s18 =	simm.s32 $0x780;
	[dreg:$0xd] =	wrdreg s5  }
0x26: {  	s10 =	simm.s32 $0xD900;
	s21 =	simm.s32 $0x800;
	[dreg:$0x1a] =	wrdreg s18  }
0x27: {  	s12 =	simm.s32 $0xF900;
	s22 =	simm.s32 $0x880;
	[dreg:$0x1b] =	wrdreg s21  }
0x28: {  	s15 =	simm.s32 $0x11900;
	s23 =	simm.s32 $0x900;
	[dreg:$0x1c] =	wrdreg s22  }
0x29: {  	s16 =	simm.s32 $0x1;
	s24 =	simm.s32 $0x980;
	[dreg:$0x1d] =	wrdreg s23  }
0x2a: {  	s8 =	simm.s32 $0x3;
	s25 =	simm.s32 $0xA00;
	[dreg:$0x1e] =	wrdreg s24  }
0x2b: {  	s13 =	simm.s32 $0x4;
	s17 =	simm.s32 $0x13900;
	[dreg:$0x1f] =	wrdreg s25  }
0x2c: {  	s3 =	sadd.s32 $0xF42E00, s3;
	s5 =	simm.s32 $0xA80;
	s0 =	rddreg [dreg:$0x3]  }
0x2d: {  	s26 =	sshrl.u32 s1, $0x1;
	s18 =	simm.s32 $0x1080;
	[smem:$0x7EB] =	sst s5  }
0x2e: {  	s4 =	simm.s32 $0x1900;
	s21 =	simm.s32 $0x1100;
	[smem:$0x7F7] =	sst s18  }
0x2f: {  	s1 =	ssub.s32 s1, s26;
	s22 =	simm.s32 $0x1180;
	[smem:$0x7F8] =	sst s21  }
0x30: {  	s23 =	simm.s32 $0x1200;
	s1 =	smax.u32 s1, $0x1;
	[smem:$0x7F9] =	sst s22  }
0x31: {  	s24 =	simm.s32 $0x1280;
	[smem:$0x7FA] =	sst s23;
	p1 =	sne.s32 s1, $0x1  }
.Ltmp0:
0x32: {  	s25 =	simm.s32 $0x1300;
	[smem:$0x7FB] =	sst s24;
	(pc) =	sbr.rel @!p1 .LBB2_1-.Ltmp0, $4  }
0x33: {  	s26 =	simm.s32 $0x1380;
	s5 =	simm.s32 $0x80;
	[smem:$0x7FC] =	sst s25  }
0x34: {  	s18 =	simm.s32 $0x2;
	[smem:$0x7FD] =	sst s26;
	s26 =	simm.s32 $0x1600  }
0x35: {  	s21 =	simm.s32 $0x1680;
	s22 =	simm.s32 $0x1700;
	s23 =	simm.s32 $0x1780  }
0x36: {  	s24 =	simm.s32 $0x1800;
	s25 =	simm.s32 $0x1880;
	s1 =	sadd.s32 $0xFFFFFFFF, s1  }
0x37: {  	[tilespmem:s2], [sflag:$0x5] =	stream.linear.gather [hbm4b:s0+s2], $0x1900, $0x38;
	[tilespmem:$0x15900] =	vst v63  }
0x38: {  	_ =	swait.ge [sflag:s31], $0x1900  }
0x39: {  	[sflag:s31] =	ssyncset.done $0x0  }
0x3a: {  	[sflag:s31] =	ssyncadd.s32 $0xFFFFE700  }
0x3b: {  	[tilespmem:s4], [sflag:$0x1] =	stream.indirect.gather [hbm4b:s3+s5], $0x40, s2, s5, $0xb8;
	[tilespmem:$0x15900] =	vst v63  }
0x3c: {  	_ = 	snop  }
0x3d: {  	[tilespmem:s7], [sflag:$0x1] =	stream.indirect.gather [hbm4b:s3+s5], $0x40, s5, s5, $0xb8;
	[tilespmem:$0x15900] =	vst v63  }
0x3e: {  	s0 =	rddreg [dreg:$0xd]  }
0x3f: {  	[tilespmem:s9], [sflag:$0x1] =	stream.indirect.gather [hbm4b:s3+s5], $0x40, s0, s5, $0xb8;
	[tilespmem:$0x15900] =	vst v63  }
0x40: {  	s20 =	smov.u32 s1;
	s1 =	rddreg [dreg:$0xe]  }
0x41: {  	[tilespmem:s11], [sflag:$0x1] =	stream.indirect.gather [hbm4b:s3+s5], $0x40, s1, s5, $0xb8;
	[tilespmem:$0x15900] =	vst v63  }
0x42: {  	s0 =	rddreg [dreg:$0xf]  }
0x43: {  	[tilespmem:s14], [sflag:$0x1] =	stream.indirect.gather [hbm4b:s3+s5], $0x40, s0, s5, $0xb8;
	[tilespmem:$0x15900] =	vst v63  }
0x44: {  	s1 =	rddreg [dreg:$0x10]  }
0x45: {  	[tilespmem:s6], [sflag:$0x2] =	stream.indirect.gather [hbm4b:s3+s5], $0x40, s1, s5, $0xb8;
	[tilespmem:$0x15900] =	vst v63  }
0x46: {  	s0 =	rddreg [dreg:$0x11]  }
0x47: {  	[tilespmem:s10], [sflag:$0x2] =	stream.indirect.gather [hbm4b:s3+s5], $0x40, s0, s5, $0xb8;
	[tilespmem:$0x15900] =	vst v63  }
0x48: {  	s1 =	rddreg [dreg:$0x12]  }
0x49: {  	[tilespmem:s12], [sflag:$0x2] =	stream.indirect.gather [hbm4b:s3+s5], $0x40, s1, s5, $0xb8;
	[tilespmem:$0x15900] =	vst v63  }
0x4a: {  	s0 =	rddreg [dreg:$0x13]  }
0x4b: {  	[tilespmem:s15], [sflag:$0x2] =	stream.indirect.gather [hbm4b:s3+s5], $0x40, s0, s5, $0xb8;
	[tilespmem:$0x15900] =	vst v63  }
0x4c: {  	s1 =	rddreg [dreg:$0x14]  }
0x4d: {  	[tilespmem:s17], [sflag:$0x2] =	stream.indirect.gather [hbm4b:s3+s5], $0x40, s1, s5, $0xb8;
	[tilespmem:$0x15900] =	vst v63  }
0x4e: {  	_ =	swait.ge [sflag:s16], $0xA000  }
0x4f: {  	[sflag:s16] =	ssyncset.done $0x0  }
0x50: {  	[sflag:s16] =	ssyncadd.s32 $0xFFFF6000  }
0x51: {  	[hbm4b:s19+s2] =	stream.linear.scatter [tilespmem:s4], [sflag:$0x3], $0xA000, $0x38;
	[tilespmem:$0x15900] =	vst v63  }
0x52: {  	_ =	swait.ge [sflag:s8], $0xA000  }
0x53: {  	[sflag:s8] =	ssyncset.done $0x0  }
0x54: {  	s0 =	rddreg [dreg:$0x15];
	[sflag:s8] =	ssyncadd.s32 $0xFFFF6000  }
0x55: {  	[tilespmem:s4], [sflag:$0x1] =	stream.indirect.gather [hbm4b:s3+s5], $0x40, s0, s5, $0xb8;
	[tilespmem:$0x15900] =	vst v63  }
0x56: {  	s1 =	rddreg [dreg:$0x16]  }
0x57: {  	[tilespmem:s7], [sflag:$0x1] =	stream.indirect.gather [hbm4b:s3+s5], $0x40, s1, s5, $0xb8;
	[tilespmem:$0x15900] =	vst v63  }
0x58: {  	s0 =	rddreg [dreg:$0x17]  }
0x59: {  	[tilespmem:s9], [sflag:$0x1] =	stream.indirect.gather [hbm4b:s3+s5], $0x40, s0, s5, $0xb8;
	[tilespmem:$0x15900] =	vst v63  }
0x5a: {  	s1 =	rddreg [dreg:$0x18]  }
0x5b: {  	[tilespmem:s11], [sflag:$0x1] =	stream.indirect.gather [hbm4b:s3+s5], $0x40, s1, s5, $0xb8;
	[tilespmem:$0x15900] =	vst v63  }
0x5c: {  	s0 =	rddreg [dreg:$0x19]  }
0x5d: {  	[tilespmem:s14], [sflag:$0x1] =	stream.indirect.gather [hbm4b:s3+s5], $0x40, s0, s5, $0xb8;
	[tilespmem:$0x15900] =	vst v63  }
0x5e: {  	_ =	swait.ge [sflag:s18], $0xA000  }
0x5f: {  	[sflag:s18] =	ssyncset.done $0x0  }
0x60: {  	s1 =	rddreg [dreg:$0x4];
	[sflag:s18] =	ssyncadd.s32 $0xFFFF6000  }
0x61: {  	[hbm4b:s1+s2] =	stream.linear.scatter [tilespmem:s6], [sflag:$0x4], $0xA000, $0x38;
	[tilespmem:$0x15900] =	vst v63  }
0x62: {  	_ =	swait.ge [sflag:s13], $0xA000  }
0x63: {  	[sflag:s13] =	ssyncset.done $0x0  }
0x64: {  	s0 =	rddreg [dreg:$0x1a];
	[sflag:s13] =	ssyncadd.s32 $0xFFFF6000  }
0x65: {  	[tilespmem:s6], [sflag:$0x2] =	stream.indirect.gather [hbm4b:s3+s5], $0x40, s0, s5, $0xb8;
	[tilespmem:$0x15900] =	vst v63  }
0x66: {  	s1 =	rddreg [dreg:$0x1b]  }
0x67: {  	[tilespmem:s10], [sflag:$0x2] =	stream.indirect.gather [hbm4b:s3+s5], $0x40, s1, s5, $0xb8;
	[tilespmem:$0x15900] =	vst v63  }
0x68: {  	s0 =	rddreg [dreg:$0x1c]  }
0x69: {  	[tilespmem:s12], [sflag:$0x2] =	stream.indirect.gather [hbm4b:s3+s5], $0x40, s0, s5, $0xb8;
	[tilespmem:$0x15900] =	vst v63  }
0x6a: {  	s1 =	rddreg [dreg:$0x1d]  }
0x6b: {  	[tilespmem:s15], [sflag:$0x2] =	stream.indirect.gather [hbm4b:s3+s5], $0x40, s1, s5, $0xb8;
	[tilespmem:$0x15900] =	vst v63  }
0x6c: {  	s0 =	rddreg [dreg:$0x1e]  }
0x6d: {  	[tilespmem:s17], [sflag:$0x2] =	stream.indirect.gather [hbm4b:s3+s5], $0x40, s0, s5, $0xb8;
	[tilespmem:$0x15900] =	vst v63  }
0x6e: {  	_ =	swait.ge [sflag:s16], $0xA000  }
0x6f: {  	[sflag:s16] =	ssyncset.done $0x0  }
0x70: {  	s1 =	rddreg [dreg:$0x5];
	[sflag:s16] =	ssyncadd.s32 $0xFFFF6000  }
0x71: {  	[hbm4b:s1+s2] =	stream.linear.scatter [tilespmem:s4], [sflag:$0x3], $0xA000, $0x38;
	[tilespmem:$0x15900] =	vst v63  }
0x72: {  	_ =	swait.ge [sflag:s8], $0xA000  }
0x73: {  	s0 =	rddreg [dreg:$0x1f];
	[sflag:s8] =	ssyncset.done $0x0  }
0x74: {  	s1 =	sld [smem:$0x7EB];
	[sflag:s8] =	ssyncadd.s32 $0xFFFF6000  }
0x75: {  	[tilespmem:s4], [sflag:$0x1] =	stream.indirect.gather [hbm4b:s3+s5], $0x40, s0, s5, $0xb8;
	[tilespmem:$0x15900] =	vst v63  }
0x76: {  	s0 =	sld [smem:$0x7EC]  }
0x77: {  	[tilespmem:s7], [sflag:$0x1] =	stream.indirect.gather [hbm4b:s3+s5], $0x40, s1, s5, $0xb8;
	[tilespmem:$0x15900] =	vst v63  }
0x78: {  	s1 =	sld [smem:$0x7ED]  }
0x79: {  	[tilespmem:s9], [sflag:$0x1] =	stream.indirect.gather [hbm4b:s3+s5], $0x40, s0, s5, $0xb8;
	[tilespmem:$0x15900] =	vst v63  }
0x7a: {  	s0 =	sld [smem:$0x7EE]  }
0x7b: {  	[tilespmem:s11], [sflag:$0x1] =	stream.indirect.gather [hbm4b:s3+s5], $0x40, s1, s5, $0xb8;
	[tilespmem:$0x15900] =	vst v63  }
0x7c: {  	_ = 	snop  }
0x7d: {  	[tilespmem:s14], [sflag:$0x1] =	stream.indirect.gather [hbm4b:s3+s5], $0x40, s0, s5, $0xb8;
	[tilespmem:$0x15900] =	vst v63  }
0x7e: {  	_ =	swait.ge [sflag:s18], $0xA000  }
0x7f: {  	[sflag:s18] =	ssyncset.done $0x0  }
0x80: {  	s1 =	rddreg [dreg:$0x6];
	[sflag:s18] =	ssyncadd.s32 $0xFFFF6000  }
0x81: {  	[hbm4b:s1+s2] =	stream.linear.scatter [tilespmem:s6], [sflag:$0x4], $0xA000, $0x38;
	[tilespmem:$0x15900] =	vst v63  }
0x82: {  	_ =	swait.ge [sflag:s13], $0xA000  }
0x83: {  	s0 =	sld [smem:$0x7EF]  }
0x84: {  	[sflag:s13] =	ssyncset.done $0x0  }
0x85: {  	s1 =	sld [smem:$0x7F0];
	[sflag:s13] =	ssyncadd.s32 $0xFFFF6000  }
0x86: {  	[tilespmem:s6], [sflag:$0x2] =	stream.indirect.gather [hbm4b:s3+s5], $0x40, s0, s5, $0xb8;
	[tilespmem:$0x15900] =	vst v63  }
0x87: {  	s0 =	sld [smem:$0x7F1]  }
0x88: {  	[tilespmem:s10], [sflag:$0x2] =	stream.indirect.gather [hbm4b:s3+s5], $0x40, s1, s5, $0xb8;
	[tilespmem:$0x15900] =	vst v63  }
0x89: {  	s1 =	sld [smem:$0x7F2]  }
0x8a: {  	[tilespmem:s12], [sflag:$0x2] =	stream.indirect.gather [hbm4b:s3+s5], $0x40, s0, s5, $0xb8;
	[tilespmem:$0x15900] =	vst v63  }
0x8b: {  	s0 =	sld [smem:$0x7F3]  }
0x8c: {  	[tilespmem:s15], [sflag:$0x2] =	stream.indirect.gather [hbm4b:s3+s5], $0x40, s1, s5, $0xb8;
	[tilespmem:$0x15900] =	vst v63  }
0x8d: {  	_ = 	snop  }
0x8e: {  	[tilespmem:s17], [sflag:$0x2] =	stream.indirect.gather [hbm4b:s3+s5], $0x40, s0, s5, $0xb8;
	[tilespmem:$0x15900] =	vst v63  }
0x8f: {  	_ =	swait.ge [sflag:s16], $0xA000  }
0x90: {  	[sflag:s16] =	ssyncset.done $0x0  }
0x91: {  	s1 =	rddreg [dreg:$0x7];
	[sflag:s16] =	ssyncadd.s32 $0xFFFF6000  }
0x92: {  	[hbm4b:s1+s2] =	stream.linear.scatter [tilespmem:s4], [sflag:$0x3], $0xA000, $0x38;
	[tilespmem:$0x15900] =	vst v63  }
0x93: {  	_ =	swait.ge [sflag:s8], $0xA000  }
0x94: {  	s0 =	sld [smem:$0x7F4]  }
0x95: {  	[sflag:s8] =	ssyncset.done $0x0  }
0x96: {  	s1 =	sld [smem:$0x7F5];
	[sflag:s8] =	ssyncadd.s32 $0xFFFF6000  }
0x97: {  	[tilespmem:s4], [sflag:$0x1] =	stream.indirect.gather [hbm4b:s3+s5], $0x40, s0, s5, $0xb8;
	[tilespmem:$0x15900] =	vst v63  }
0x98: {  	s0 =	sld [smem:$0x7F6]  }
0x99: {  	[tilespmem:s7], [sflag:$0x1] =	stream.indirect.gather [hbm4b:s3+s5], $0x40, s1, s5, $0xb8;
	[tilespmem:$0x15900] =	vst v63  }
0x9a: {  	s1 =	sld [smem:$0x7F7]  }
0x9b: {  	[tilespmem:s9], [sflag:$0x1] =	stream.indirect.gather [hbm4b:s3+s5], $0x40, s0, s5, $0xb8;
	[tilespmem:$0x15900] =	vst v63  }
0x9c: {  	s0 =	sld [smem:$0x7F8]  }
0x9d: {  	[tilespmem:s11], [sflag:$0x1] =	stream.indirect.gather [hbm4b:s3+s5], $0x40, s1, s5, $0xb8;
	[tilespmem:$0x15900] =	vst v63  }
0x9e: {  	_ = 	snop  }
0x9f: {  	[tilespmem:s14], [sflag:$0x1] =	stream.indirect.gather [hbm4b:s3+s5], $0x40, s0, s5, $0xb8;
	[tilespmem:$0x15900] =	vst v63  }
0xa0: {  	_ =	swait.ge [sflag:s18], $0xA000  }
0xa1: {  	[sflag:s18] =	ssyncset.done $0x0  }
0xa2: {  	s1 =	rddreg [dreg:$0x8];
	[sflag:s18] =	ssyncadd.s32 $0xFFFF6000  }
0xa3: {  	[hbm4b:s1+s2] =	stream.linear.scatter [tilespmem:s6], [sflag:$0x4], $0xA000, $0x38;
	[tilespmem:$0x15900] =	vst v63  }
0xa4: {  	_ =	swait.ge [sflag:s13], $0xA000  }
0xa5: {  	s0 =	sld [smem:$0x7F9]  }
0xa6: {  	[sflag:s13] =	ssyncset.done $0x0  }
0xa7: {  	s1 =	sld [smem:$0x7FA];
	[sflag:s13] =	ssyncadd.s32 $0xFFFF6000  }
0xa8: {  	[tilespmem:s6], [sflag:$0x2] =	stream.indirect.gather [hbm4b:s3+s5], $0x40, s0, s5, $0xb8;
	[tilespmem:$0x15900] =	vst v63  }
0xa9: {  	s0 =	sld [smem:$0x7FB]  }
0xaa: {  	[tilespmem:s10], [sflag:$0x2] =	stream.indirect.gather [hbm4b:s3+s5], $0x40, s1, s5, $0xb8;
	[tilespmem:$0x15900] =	vst v63  }
0xab: {  	s1 =	sld [smem:$0x7FC]  }
0xac: {  	[tilespmem:s12], [sflag:$0x2] =	stream.indirect.gather [hbm4b:s3+s5], $0x40, s0, s5, $0xb8;
	[tilespmem:$0x15900] =	vst v63  }
0xad: {  	s0 =	sld [smem:$0x7FD]  }
0xae: {  	[tilespmem:s15], [sflag:$0x2] =	stream.indirect.gather [hbm4b:s3+s5], $0x40, s1, s5, $0xb8;
	[tilespmem:$0x15900] =	vst v63  }
0xaf: {  	_ = 	snop  }
0xb0: {  	[tilespmem:s17], [sflag:$0x2] =	stream.indirect.gather [hbm4b:s3+s5], $0x40, s0, s5, $0xb8;
	[tilespmem:$0x15900] =	vst v63  }
0xb1: {  	_ =	swait.ge [sflag:s16], $0xA000  }
0xb2: {  	[sflag:s16] =	ssyncset.done $0x0  }
0xb3: {  	s1 =	rddreg [dreg:$0x9];
	[sflag:s16] =	ssyncadd.s32 $0xFFFF6000  }
0xb4: {  	[hbm4b:s1+s2] =	stream.linear.scatter [tilespmem:s4], [sflag:$0x3], $0xA000, $0x38;
	[tilespmem:$0x15900] =	vst v63  }
0xb5: {  	_ =	swait.ge [sflag:s8], $0xA000  }
0xb6: {  	[sflag:s8] =	ssyncset.done $0x0  }
0xb7: {  	s1 =	simm.s32 $0x1400;
	[sflag:s8] =	ssyncadd.s32 $0xFFFF6000  }
0xb8: {  	[tilespmem:s4], [sflag:$0x1] =	stream.indirect.gather [hbm4b:s3+s5], $0x40, s1, s5, $0xb8;
	[tilespmem:$0x15900] =	vst v63  }
0xb9: {  	_ = 	snop  }
0xba: {  	[tilespmem:s7], [sflag:$0x1] =	stream.indirect.gather [hbm4b:s3+s5], $0x40, s28, s5, $0xb8;
	[tilespmem:$0x15900] =	vst v63  }
0xbb: {  	_ = 	snop  }
0xbc: {  	[tilespmem:s9], [sflag:$0x1] =	stream.indirect.gather [hbm4b:s3+s5], $0x40, s29, s5, $0xb8;
	[tilespmem:$0x15900] =	vst v63  }
0xbd: {  	_ = 	snop  }
0xbe: {  	[tilespmem:s11], [sflag:$0x1] =	stream.indirect.gather [hbm4b:s3+s5], $0x40, s30, s5, $0xb8;
	[tilespmem:$0x15900] =	vst v63  }
0xbf: {  	_ = 	snop  }
0xc0: {  	[tilespmem:s14], [sflag:$0x1] =	stream.indirect.gather [hbm4b:s3+s5], $0x40, s26, s5, $0xb8;
	[tilespmem:$0x15900] =	vst v63  }
0xc1: {  	_ =	swait.ge [sflag:s18], $0xA000  }
0xc2: {  	[sflag:s18] =	ssyncset.done $0x0  }
0xc3: {  	s1 =	rddreg [dreg:$0xa];
	[sflag:s18] =	ssyncadd.s32 $0xFFFF6000  }
0xc4: {  	[hbm4b:s1+s2] =	stream.linear.scatter [tilespmem:s6], [sflag:$0x4], $0xA000, $0x38;
	[tilespmem:$0x15900] =	vst v63  }
0xc5: {  	_ =	swait.ge [sflag:s13], $0xA000  }
0xc6: {  	[sflag:s13] =	ssyncset.done $0x0  }
0xc7: {  	[sflag:s13] =	ssyncadd.s32 $0xFFFF6000  }
0xc8: {  	[tilespmem:s6], [sflag:$0x2] =	stream.indirect.gather [hbm4b:s3+s5], $0x40, s21, s5, $0xb8;
	[tilespmem:$0x15900] =	vst v63  }
0xc9: {  	_ = 	snop  }
0xca: {  	[tilespmem:s10], [sflag:$0x2] =	stream.indirect.gather [hbm4b:s3+s5], $0x40, s22, s5, $0xb8;
	[tilespmem:$0x15900] =	vst v63  }
0xcb: {  	_ = 	snop  }
0xcc: {  	[tilespmem:s12], [sflag:$0x2] =	stream.indirect.gather [hbm4b:s3+s5], $0x40, s23, s5, $0xb8;
	[tilespmem:$0x15900] =	vst v63  }
0xcd: {  	_ = 	snop  }
0xce: {  	[tilespmem:s15], [sflag:$0x2] =	stream.indirect.gather [hbm4b:s3+s5], $0x40, s24, s5, $0xb8;
	[tilespmem:$0x15900] =	vst v63  }
0xcf: {  	_ = 	snop  }
0xd0: {  	[tilespmem:s17], [sflag:$0x2] =	stream.indirect.gather [hbm4b:s3+s5], $0x40, s25, s5, $0xb8;
	[tilespmem:$0x15900] =	vst v63  }
0xd1: {  	_ =	swait.ge [sflag:s16], $0xA000  }
0xd2: {  	[sflag:s16] =	ssyncset.done $0x0  }
0xd3: {  	s1 =	rddreg [dreg:$0xb];
	[sflag:s16] =	ssyncadd.s32 $0xFFFF6000  }
0xd4: {  	[hbm4b:s1+s2] =	stream.linear.scatter [tilespmem:s4], [sflag:$0x3], $0xA000, $0x38;
	[tilespmem:$0x15900] =	vst v63  }
0xd5: {  	_ =	swait.ge [sflag:s18], $0xA000  }
0xd6: {  	[sflag:s18] =	ssyncset.done $0x0  }
0xd7: {  	p1 =	sne.s32 s20, $0x1;
	s1 =	rddreg [dreg:$0xc];
	[sflag:s18] =	ssyncadd.s32 $0xFFFF6000  }
0xd8: {  	[hbm4b:s1+s2] =	stream.linear.scatter [tilespmem:s6], [sflag:$0x4], $0xA000, $0x38;
	[tilespmem:$0x15900] =	vst v63  }
.Ltmp1:
0xd9: {  	_ =	swait.ge [sflag:s8], $0xA000;
	(pc) =	sbr.rel @!p1 .LBB2_3-.Ltmp1, $4  }
0xda: {  	[sflag:s8] =	ssyncset.done $0x0  }
0xdb: {  	[sflag:s8] =	ssyncadd.s32 $0xFFFF6000  }
0xdc: {  	p0 =	por $0x1, $0x1;
	_ =	swait.ge [sflag:s13], $0xA000  }
0xdd: {  	s1 =	sadd.s32 $0xFFFFFFFF, s20;
	s0 =	rddreg [dreg:$0x3];
	[sflag:s13] =	ssyncset.done $0x0  }
.LBB2_4:
0xde: {  	[sflag:s13] =	ssyncadd.s32 $0xFFFF6000  }
0xdf: {  	[tilespmem:s2], [sflag:$0x5] =	stream.linear.gather [hbm4b:s0+s2], $0x1900, $0x38;
	[tilespmem:$0x15900] =	vst v63  }
0xe0: {  	_ =	swait.ge [sflag:s31], $0x1900  }
0xe1: {  	[sflag:s31] =	ssyncset.done $0x0  }
0xe2: {  	[sflag:s31] =	ssyncadd.s32 $0xFFFFE700  }
0xe3: {  	[tilespmem:s4], [sflag:$0x1] =	stream.indirect.gather [hbm4b:s3+s5], $0x40, s2, s5, $0xb8;
	[tilespmem:$0x15900] =	vst v63  }
0xe4: {  	_ = 	snop  }
0xe5: {  	[tilespmem:s7], [sflag:$0x1] =	stream.indirect.gather [hbm4b:s3+s5], $0x40, s5, s5, $0xb8;
	[tilespmem:$0x15900] =	vst v63  }
0xe6: {  	s0 =	rddreg [dreg:$0xd]  }
0xe7: {  	[tilespmem:s9], [sflag:$0x1] =	stream.indirect.gather [hbm4b:s3+s5], $0x40, s0, s5, $0xb8;
	[tilespmem:$0x15900] =	vst v63  }
0xe8: {  	s20 =	rddreg [dreg:$0xe]  }
0xe9: {  	[tilespmem:s11], [sflag:$0x1] =	stream.indirect.gather [hbm4b:s3+s5], $0x40, s20, s5, $0xb8;
	[tilespmem:$0x15900] =	vst v63  }
0xea: {  	s0 =	rddreg [dreg:$0xf]  }
0xeb: {  	[tilespmem:s14], [sflag:$0x1] =	stream.indirect.gather [hbm4b:s3+s5], $0x40, s0, s5, $0xb8;
	[tilespmem:$0x15900] =	vst v63  }
0xec: {  	s20 =	rddreg [dreg:$0x10]  }
0xed: {  	[tilespmem:s6], [sflag:$0x2] =	stream.indirect.gather [hbm4b:s3+s5], $0x40, s20, s5, $0xb8;
	[tilespmem:$0x15900] =	vst v63  }
0xee: {  	s0 =	rddreg [dreg:$0x11]  }
0xef: {  	[tilespmem:s10], [sflag:$0x2] =	stream.indirect.gather [hbm4b:s3+s5], $0x40, s0, s5, $0xb8;
	[tilespmem:$0x15900] =	vst v63  }
0xf0: {  	s20 =	rddreg [dreg:$0x12]  }
0xf1: {  	[tilespmem:s12], [sflag:$0x2] =	stream.indirect.gather [hbm4b:s3+s5], $0x40, s20, s5, $0xb8;
	[tilespmem:$0x15900] =	vst v63  }
0xf2: {  	s0 =	rddreg [dreg:$0x13]  }
0xf3: {  	[tilespmem:s15], [sflag:$0x2] =	stream.indirect.gather [hbm4b:s3+s5], $0x40, s0, s5, $0xb8;
	[tilespmem:$0x15900] =	vst v63  }
0xf4: {  	s20 =	rddreg [dreg:$0x14]  }
0xf5: {  	[tilespmem:s17], [sflag:$0x2] =	stream.indirect.gather [hbm4b:s3+s5], $0x40, s20, s5, $0xb8;
	[tilespmem:$0x15900] =	vst v63  }
0xf6: {  	_ =	swait.ge [sflag:s16], $0xA000  }
0xf7: {  	[sflag:s16] =	ssyncset.done $0x0  }
0xf8: {  	[sflag:s16] =	ssyncadd.s32 $0xFFFF6000  }
0xf9: {  	[hbm4b:s19+s2] =	stream.linear.scatter [tilespmem:s4], [sflag:$0x3], $0xA000, $0x38;
	[tilespmem:$0x15900] =	vst v63  }
0xfa: {  	_ =	swait.ge [sflag:s8], $0xA000  }
0xfb: {  	[sflag:s8] =	ssyncset.done $0x0  }
0xfc: {  	s0 =	rddreg [dreg:$0x15];
	[sflag:s8] =	ssyncadd.s32 $0xFFFF6000  }
0xfd: {  	[tilespmem:s4], [sflag:$0x1] =	stream.indirect.gather [hbm4b:s3+s5], $0x40, s0, s5, $0xb8;
	[tilespmem:$0x15900] =	vst v63  }
0xfe: {  	s20 =	rddreg [dreg:$0x16]  }
0xff: {  	[tilespmem:s7], [sflag:$0x1] =	stream.indirect.gather [hbm4b:s3+s5], $0x40, s20, s5, $0xb8;
	[tilespmem:$0x15900] =	vst v63  }
0x100: {  	s0 =	rddreg [dreg:$0x17]  }
0x101: {  	[tilespmem:s9], [sflag:$0x1] =	stream.indirect.gather [hbm4b:s3+s5], $0x40, s0, s5, $0xb8;
	[tilespmem:$0x15900] =	vst v63  }
0x102: {  	s20 =	rddreg [dreg:$0x18]  }
0x103: {  	[tilespmem:s11], [sflag:$0x1] =	stream.indirect.gather [hbm4b:s3+s5], $0x40, s20, s5, $0xb8;
	[tilespmem:$0x15900] =	vst v63  }
0x104: {  	s0 =	rddreg [dreg:$0x19]  }
0x105: {  	[tilespmem:s14], [sflag:$0x1] =	stream.indirect.gather [hbm4b:s3+s5], $0x40, s0, s5, $0xb8;
	[tilespmem:$0x15900] =	vst v63  }
0x106: {  	_ =	swait.ge [sflag:s18], $0xA000  }
0x107: {  	[sflag:s18] =	ssyncset.done $0x0  }
0x108: {  	s20 =	rddreg [dreg:$0x4];
	[sflag:s18] =	ssyncadd.s32 $0xFFFF6000  }
0x109: {  	[hbm4b:s20+s2] =	stream.linear.scatter [tilespmem:s6], [sflag:$0x4], $0xA000, $0x38;
	[tilespmem:$0x15900] =	vst v63  }
0x10a: {  	_ =	swait.ge [sflag:s13], $0xA000  }
0x10b: {  	[sflag:s13] =	ssyncset.done $0x0  }
0x10c: {  	s0 =	rddreg [dreg:$0x1a];
	[sflag:s13] =	ssyncadd.s32 $0xFFFF6000  }
0x10d: {  	[tilespmem:s6], [sflag:$0x2] =	stream.indirect.gather [hbm4b:s3+s5], $0x40, s0, s5, $0xb8;
	[tilespmem:$0x15900] =	vst v63  }
0x10e: {  	s20 =	rddreg [dreg:$0x1b]  }
0x10f: {  	[tilespmem:s10], [sflag:$0x2] =	stream.indirect.gather [hbm4b:s3+s5], $0x40, s20, s5, $0xb8;
	[tilespmem:$0x15900] =	vst v63  }
0x110: {  	s0 =	rddreg [dreg:$0x1c]  }
0x111: {  	[tilespmem:s12], [sflag:$0x2] =	stream.indirect.gather [hbm4b:s3+s5], $0x40, s0, s5, $0xb8;
	[tilespmem:$0x15900] =	vst v63  }
0x112: {  	s20 =	rddreg [dreg:$0x1d]  }
0x113: {  	[tilespmem:s15], [sflag:$0x2] =	stream.indirect.gather [hbm4b:s3+s5], $0x40, s20, s5, $0xb8;
	[tilespmem:$0x15900] =	vst v63  }
0x114: {  	s0 =	rddreg [dreg:$0x1e]  }
0x115: {  	[tilespmem:s17], [sflag:$0x2] =	stream.indirect.gather [hbm4b:s3+s5], $0x40, s0, s5, $0xb8;
	[tilespmem:$0x15900] =	vst v63  }
0x116: {  	_ =	swait.ge [sflag:s16], $0xA000  }
0x117: {  	[sflag:s16] =	ssyncset.done $0x0  }
0x118: {  	s20 =	rddreg [dreg:$0x5];
	[sflag:s16] =	ssyncadd.s32 $0xFFFF6000  }
0x119: {  	[hbm4b:s20+s2] =	stream.linear.scatter [tilespmem:s4], [sflag:$0x3], $0xA000, $0x38;
	[tilespmem:$0x15900] =	vst v63  }
0x11a: {  	_ =	swait.ge [sflag:s8], $0xA000  }
0x11b: {  	s0 =	rddreg [dreg:$0x1f];
	[sflag:s8] =	ssyncset.done $0x0  }
0x11c: {  	s20 =	sld [smem:$0x7EB];
	[sflag:s8] =	ssyncadd.s32 $0xFFFF6000  }
0x11d: {  	[tilespmem:s4], [sflag:$0x1] =	stream.indirect.gather [hbm4b:s3+s5], $0x40, s0, s5, $0xb8;
	[tilespmem:$0x15900] =	vst v63  }
0x11e: {  	s0 =	sld [smem:$0x7EC]  }
0x11f: {  	[tilespmem:s7], [sflag:$0x1] =	stream.indirect.gather [hbm4b:s3+s5], $0x40, s20, s5, $0xb8;
	[tilespmem:$0x15900] =	vst v63  }
0x120: {  	s20 =	sld [smem:$0x7ED]  }
0x121: {  	[tilespmem:s9], [sflag:$0x1] =	stream.indirect.gather [hbm4b:s3+s5], $0x40, s0, s5, $0xb8;
	[tilespmem:$0x15900] =	vst v63  }
0x122: {  	s0 =	sld [smem:$0x7EE]  }
0x123: {  	[tilespmem:s11], [sflag:$0x1] =	stream.indirect.gather [hbm4b:s3+s5], $0x40, s20, s5, $0xb8;
	[tilespmem:$0x15900] =	vst v63  }
0x124: {  	_ = 	snop  }
0x125: {  	[tilespmem:s14], [sflag:$0x1] =	stream.indirect.gather [hbm4b:s3+s5], $0x40, s0, s5, $0xb8;
	[tilespmem:$0x15900] =	vst v63  }
0x126: {  	_ =	swait.ge [sflag:s18], $0xA000  }
0x127: {  	[sflag:s18] =	ssyncset.done $0x0  }
0x128: {  	s20 =	rddreg [dreg:$0x6];
	[sflag:s18] =	ssyncadd.s32 $0xFFFF6000  }
0x129: {  	[hbm4b:s20+s2] =	stream.linear.scatter [tilespmem:s6], [sflag:$0x4], $0xA000, $0x38;
	[tilespmem:$0x15900] =	vst v63  }
0x12a: {  	_ =	swait.ge [sflag:s13], $0xA000  }
0x12b: {  	s0 =	sld [smem:$0x7EF]  }
0x12c: {  	[sflag:s13] =	ssyncset.done $0x0  }
0x12d: {  	s20 =	sld [smem:$0x7F0];
	[sflag:s13] =	ssyncadd.s32 $0xFFFF6000  }
0x12e: {  	[tilespmem:s6], [sflag:$0x2] =	stream.indirect.gather [hbm4b:s3+s5], $0x40, s0, s5, $0xb8;
	[tilespmem:$0x15900] =	vst v63  }
0x12f: {  	s0 =	sld [smem:$0x7F1]  }
0x130: {  	[tilespmem:s10], [sflag:$0x2] =	stream.indirect.gather [hbm4b:s3+s5], $0x40, s20, s5, $0xb8;
	[tilespmem:$0x15900] =	vst v63  }
0x131: {  	s20 =	sld [smem:$0x7F2]  }
0x132: {  	[tilespmem:s12], [sflag:$0x2] =	stream.indirect.gather [hbm4b:s3+s5], $0x40, s0, s5, $0xb8;
	[tilespmem:$0x15900] =	vst v63  }
0x133: {  	s0 =	sld [smem:$0x7F3]  }
0x134: {  	[tilespmem:s15], [sflag:$0x2] =	stream.indirect.gather [hbm4b:s3+s5], $0x40, s20, s5, $0xb8;
	[tilespmem:$0x15900] =	vst v63  }
0x135: {  	_ = 	snop  }
0x136: {  	[tilespmem:s17], [sflag:$0x2] =	stream.indirect.gather [hbm4b:s3+s5], $0x40, s0, s5, $0xb8;
	[tilespmem:$0x15900] =	vst v63  }
0x137: {  	_ =	swait.ge [sflag:s16], $0xA000  }
0x138: {  	[sflag:s16] =	ssyncset.done $0x0  }
0x139: {  	s20 =	rddreg [dreg:$0x7];
	[sflag:s16] =	ssyncadd.s32 $0xFFFF6000  }
0x13a: {  	[hbm4b:s20+s2] =	stream.linear.scatter [tilespmem:s4], [sflag:$0x3], $0xA000, $0x38;
	[tilespmem:$0x15900] =	vst v63  }
0x13b: {  	_ =	swait.ge [sflag:s8], $0xA000  }
0x13c: {  	s0 =	sld [smem:$0x7F4]  }
0x13d: {  	[sflag:s8] =	ssyncset.done $0x0  }
0x13e: {  	s20 =	sld [smem:$0x7F5];
	[sflag:s8] =	ssyncadd.s32 $0xFFFF6000  }
0x13f: {  	[tilespmem:s4], [sflag:$0x1] =	stream.indirect.gather [hbm4b:s3+s5], $0x40, s0, s5, $0xb8;
	[tilespmem:$0x15900] =	vst v63  }
0x140: {  	s0 =	sld [smem:$0x7F6]  }
0x141: {  	[tilespmem:s7], [sflag:$0x1] =	stream.indirect.gather [hbm4b:s3+s5], $0x40, s20, s5, $0xb8;
	[tilespmem:$0x15900] =	vst v63  }
0x142: {  	s20 =	sld [smem:$0x7F7]  }
0x143: {  	[tilespmem:s9], [sflag:$0x1] =	stream.indirect.gather [hbm4b:s3+s5], $0x40, s0, s5, $0xb8;
	[tilespmem:$0x15900] =	vst v63  }
0x144: {  	s0 =	sld [smem:$0x7F8]  }
0x145: {  	[tilespmem:s11], [sflag:$0x1] =	stream.indirect.gather [hbm4b:s3+s5], $0x40, s20, s5, $0xb8;
	[tilespmem:$0x15900] =	vst v63  }
0x146: {  	_ = 	snop  }
0x147: {  	[tilespmem:s14], [sflag:$0x1] =	stream.indirect.gather [hbm4b:s3+s5], $0x40, s0, s5, $0xb8;
	[tilespmem:$0x15900] =	vst v63  }
0x148: {  	_ =	swait.ge [sflag:s18], $0xA000  }
0x149: {  	[sflag:s18] =	ssyncset.done $0x0  }
0x14a: {  	s20 =	rddreg [dreg:$0x8];
	[sflag:s18] =	ssyncadd.s32 $0xFFFF6000  }
0x14b: {  	[hbm4b:s20+s2] =	stream.linear.scatter [tilespmem:s6], [sflag:$0x4], $0xA000, $0x38;
	[tilespmem:$0x15900] =	vst v63  }
0x14c: {  	_ =	swait.ge [sflag:s13], $0xA000  }
0x14d: {  	s0 =	sld [smem:$0x7F9]  }
0x14e: {  	[sflag:s13] =	ssyncset.done $0x0  }
0x14f: {  	s20 =	sld [smem:$0x7FA];
	[sflag:s13] =	ssyncadd.s32 $0xFFFF6000  }
0x150: {  	[tilespmem:s6], [sflag:$0x2] =	stream.indirect.gather [hbm4b:s3+s5], $0x40, s0, s5, $0xb8;
	[tilespmem:$0x15900] =	vst v63  }
0x151: {  	s0 =	sld [smem:$0x7FB]  }
0x152: {  	[tilespmem:s10], [sflag:$0x2] =	stream.indirect.gather [hbm4b:s3+s5], $0x40, s20, s5, $0xb8;
	[tilespmem:$0x15900] =	vst v63  }
0x153: {  	s20 =	sld [smem:$0x7FC]  }
0x154: {  	[tilespmem:s12], [sflag:$0x2] =	stream.indirect.gather [hbm4b:s3+s5], $0x40, s0, s5, $0xb8;
	[tilespmem:$0x15900] =	vst v63  }
0x155: {  	s0 =	sld [smem:$0x7FD]  }
0x156: {  	[tilespmem:s15], [sflag:$0x2] =	stream.indirect.gather [hbm4b:s3+s5], $0x40, s20, s5, $0xb8;
	[tilespmem:$0x15900] =	vst v63  }
0x157: {  	_ = 	snop  }
0x158: {  	[tilespmem:s17], [sflag:$0x2] =	stream.indirect.gather [hbm4b:s3+s5], $0x40, s0, s5, $0xb8;
	[tilespmem:$0x15900] =	vst v63  }
0x159: {  	_ =	swait.ge [sflag:s16], $0xA000  }
0x15a: {  	[sflag:s16] =	ssyncset.done $0x0  }
0x15b: {  	s20 =	rddreg [dreg:$0x9];
	[sflag:s16] =	ssyncadd.s32 $0xFFFF6000  }
0x15c: {  	[hbm4b:s20+s2] =	stream.linear.scatter [tilespmem:s4], [sflag:$0x3], $0xA000, $0x38;
	[tilespmem:$0x15900] =	vst v63  }
0x15d: {  	_ =	swait.ge [sflag:s8], $0xA000  }
0x15e: {  	[sflag:s8] =	ssyncset.done $0x0  }
0x15f: {  	s20 =	simm.s32 $0x1400;
	[sflag:s8] =	ssyncadd.s32 $0xFFFF6000  }
0x160: {  	[tilespmem:s4], [sflag:$0x1] =	stream.indirect.gather [hbm4b:s3+s5], $0x40, s20, s5, $0xb8;
	[tilespmem:$0x15900] =	vst v63  }
0x161: {  	_ = 	snop  }
0x162: {  	[tilespmem:s7], [sflag:$0x1] =	stream.indirect.gather [hbm4b:s3+s5], $0x40, s28, s5, $0xb8;
	[tilespmem:$0x15900] =	vst v63  }
0x163: {  	_ = 	snop  }
0x164: {  	[tilespmem:s9], [sflag:$0x1] =	stream.indirect.gather [hbm4b:s3+s5], $0x40, s29, s5, $0xb8;
	[tilespmem:$0x15900] =	vst v63  }
0x165: {  	_ = 	snop  }
0x166: {  	[tilespmem:s11], [sflag:$0x1] =	stream.indirect.gather [hbm4b:s3+s5], $0x40, s30, s5, $0xb8;
	[tilespmem:$0x15900] =	vst v63  }
0x167: {  	_ = 	snop  }
0x168: {  	[tilespmem:s14], [sflag:$0x1] =	stream.indirect.gather [hbm4b:s3+s5], $0x40, s26, s5, $0xb8;
	[tilespmem:$0x15900] =	vst v63  }
0x169: {  	_ =	swait.ge [sflag:s18], $0xA000  }
0x16a: {  	[sflag:s18] =	ssyncset.done $0x0  }
0x16b: {  	s20 =	rddreg [dreg:$0xa];
	[sflag:s18] =	ssyncadd.s32 $0xFFFF6000  }
0x16c: {  	[hbm4b:s20+s2] =	stream.linear.scatter [tilespmem:s6], [sflag:$0x4], $0xA000, $0x38;
	[tilespmem:$0x15900] =	vst v63  }
0x16d: {  	_ =	swait.ge [sflag:s13], $0xA000  }
0x16e: {  	[sflag:s13] =	ssyncset.done $0x0  }
0x16f: {  	[sflag:s13] =	ssyncadd.s32 $0xFFFF6000  }
0x170: {  	[tilespmem:s6], [sflag:$0x2] =	stream.indirect.gather [hbm4b:s3+s5], $0x40, s21, s5, $0xb8;
	[tilespmem:$0x15900] =	vst v63  }
0x171: {  	_ = 	snop  }
0x172: {  	[tilespmem:s10], [sflag:$0x2] =	stream.indirect.gather [hbm4b:s3+s5], $0x40, s22, s5, $0xb8;
	[tilespmem:$0x15900] =	vst v63  }
0x173: {  	_ = 	snop  }
0x174: {  	[tilespmem:s12], [sflag:$0x2] =	stream.indirect.gather [hbm4b:s3+s5], $0x40, s23, s5, $0xb8;
	[tilespmem:$0x15900] =	vst v63  }
0x175: {  	_ = 	snop  }
0x176: {  	[tilespmem:s15], [sflag:$0x2] =	stream.indirect.gather [hbm4b:s3+s5], $0x40, s24, s5, $0xb8;
	[tilespmem:$0x15900] =	vst v63  }
0x177: {  	_ = 	snop  }
0x178: {  	[tilespmem:s17], [sflag:$0x2] =	stream.indirect.gather [hbm4b:s3+s5], $0x40, s25, s5, $0xb8;
	[tilespmem:$0x15900] =	vst v63  }
0x179: {  	_ =	swait.ge [sflag:s16], $0xA000  }
0x17a: {  	[sflag:s16] =	ssyncset.done $0x0  }
0x17b: {  	s20 =	rddreg [dreg:$0xb];
	[sflag:s16] =	ssyncadd.s32 $0xFFFF6000  }
0x17c: {  	[hbm4b:s20+s2] =	stream.linear.scatter [tilespmem:s4], [sflag:$0x3], $0xA000, $0x38;
	[tilespmem:$0x15900] =	vst v63  }
0x17d: {  	_ =	swait.ge [sflag:s18], $0xA000  }
0x17e: {  	[sflag:s18] =	ssyncset.done $0x0  }
0x17f: {  	p1 =	sne.s32 s1, $0x1;
	s20 =	rddreg [dreg:$0xc];
	[sflag:s18] =	ssyncadd.s32 $0xFFFF6000  }
0x180: {  	[hbm4b:s20+s2] =	stream.linear.scatter [tilespmem:s6], [sflag:$0x4], $0xA000, $0x38;
	[tilespmem:$0x15900] =	vst v63  }
.Ltmp2:
0x181: {  	_ =	swait.ge [sflag:s8], $0xA000;
	(pc) =	sbr.rel @p1 .LBB2_4-.Ltmp2, $4  }
0x182: {  	[sflag:s8] =	ssyncset.done $0x0  }
0x183: {  	[sflag:s8] =	ssyncadd.s32 $0xFFFF6000  }
0x184: {  	_ =	swait.ge [sflag:s13], $0xA000  }
0x185: {  	s1 =	sadd.s32 $0xFFFFFFFF, s1;
	s0 =	rddreg [dreg:$0x3];
	[sflag:s13] =	ssyncset.done $0x0  }
0x186: {  	s25 =	simm.s32 $0x1600  }
0x187: {  	s30 =	simm.s32 $0x1580;
	s29 =	simm.s32 $0x1500;
	s28 =	simm.s32 $0x1480  }
0x188: {  	s26 =	simm.s32 $0x1400;
	s24 =	simm.s32 $0x1800;
	s23 =	simm.s32 $0x1780  }
0x189: {  	s22 =	simm.s32 $0x1700;
	s21 =	simm.s32 $0x1680;
	s20 =	stileid.u32  }
.LBB2_6:
0x18a: {  	[sflag:s13] =	ssyncadd.s32 @p0 $0xFFFF6000  }
0x18b: {  	[tilespmem:s2], [sflag:$0x5] =	stream.linear.gather [hbm4b:s0+s2], $0x1900, $0x38;
	[tilespmem:$0x15900] =	vst v63  }
0x18c: {  	_ =	swait.ge [sflag:s31], $0x1900  }
0x18d: {  	[sflag:s31] =	ssyncset.done $0x0  }
0x18e: {  	[sflag:s31] =	ssyncadd.s32 $0xFFFFE700  }
0x18f: {  	[tilespmem:s4], [sflag:$0x1] =	stream.indirect.gather [hbm4b:s3+s5], $0x40, s2, s5, $0xb8;
	[tilespmem:$0x15900] =	vst v63  }
0x190: {  	_ = 	snop  }
0x191: {  	[tilespmem:s7], [sflag:$0x1] =	stream.indirect.gather [hbm4b:s3+s5], $0x40, s5, s5, $0xb8;
	[tilespmem:$0x15900] =	vst v63  }
0x192: {  	s31 =	rddreg [dreg:$0xd]  }
0x193: {  	[tilespmem:s9], [sflag:$0x1] =	stream.indirect.gather [hbm4b:s3+s5], $0x40, s31, s5, $0xb8;
	[tilespmem:$0x15900] =	vst v63  }
0x194: {  	s1 =	rddreg [dreg:$0xe]  }
0x195: {  	[tilespmem:s11], [sflag:$0x1] =	stream.indirect.gather [hbm4b:s3+s5], $0x40, s1, s5, $0xb8;
	[tilespmem:$0x15900] =	vst v63  }
0x196: {  	s0 =	rddreg [dreg:$0xf]  }
0x197: {  	[tilespmem:s14], [sflag:$0x1] =	stream.indirect.gather [hbm4b:s3+s5], $0x40, s0, s5, $0xb8;
	[tilespmem:$0x15900] =	vst v63  }
0x198: {  	s31 =	rddreg [dreg:$0x10]  }
0x199: {  	[tilespmem:s6], [sflag:$0x2] =	stream.indirect.gather [hbm4b:s3+s5], $0x40, s31, s5, $0xb8;
	[tilespmem:$0x15900] =	vst v63  }
0x19a: {  	s0 =	rddreg [dreg:$0x11]  }
0x19b: {  	[tilespmem:s10], [sflag:$0x2] =	stream.indirect.gather [hbm4b:s3+s5], $0x40, s0, s5, $0xb8;
	[tilespmem:$0x15900] =	vst v63  }
0x19c: {  	s31 =	rddreg [dreg:$0x12]  }
0x19d: {  	[tilespmem:s12], [sflag:$0x2] =	stream.indirect.gather [hbm4b:s3+s5], $0x40, s31, s5, $0xb8;
	[tilespmem:$0x15900] =	vst v63  }
0x19e: {  	s0 =	rddreg [dreg:$0x13]  }
0x19f: {  	[tilespmem:s15], [sflag:$0x2] =	stream.indirect.gather [hbm4b:s3+s5], $0x40, s0, s5, $0xb8;
	[tilespmem:$0x15900] =	vst v63  }
0x1a0: {  	s31 =	rddreg [dreg:$0x14]  }
0x1a1: {  	[tilespmem:s17], [sflag:$0x2] =	stream.indirect.gather [hbm4b:s3+s5], $0x40, s31, s5, $0xb8;
	[tilespmem:$0x15900] =	vst v63  }
0x1a2: {  	_ =	swait.ge [sflag:s16], $0xA000  }
0x1a3: {  	[sflag:s16] =	ssyncset.done $0x0  }
0x1a4: {  	[sflag:s16] =	ssyncadd.s32 $0xFFFF6000  }
0x1a5: {  	[hbm4b:s19+s2] =	stream.linear.scatter [tilespmem:s4], [sflag:$0x3], $0xA000, $0x38;
	[tilespmem:$0x15900] =	vst v63  }
0x1a6: {  	_ =	swait.ge [sflag:s8], $0xA000  }
0x1a7: {  	[sflag:s8] =	ssyncset.done $0x0  }
0x1a8: {  	s19 =	rddreg [dreg:$0x15];
	[sflag:s8] =	ssyncadd.s32 $0xFFFF6000  }
0x1a9: {  	[tilespmem:s4], [sflag:$0x1] =	stream.indirect.gather [hbm4b:s3+s5], $0x40, s19, s5, $0xb8;
	[tilespmem:$0x15900] =	vst v63  }
0x1aa: {  	s31 =	rddreg [dreg:$0x16]  }
0x1ab: {  	[tilespmem:s7], [sflag:$0x1] =	stream.indirect.gather [hbm4b:s3+s5], $0x40, s31, s5, $0xb8;
	[tilespmem:$0x15900] =	vst v63  }
0x1ac: {  	s19 =	rddreg [dreg:$0x17]  }
0x1ad: {  	[tilespmem:s9], [sflag:$0x1] =	stream.indirect.gather [hbm4b:s3+s5], $0x40, s19, s5, $0xb8;
	[tilespmem:$0x15900] =	vst v63  }
0x1ae: {  	s31 =	rddreg [dreg:$0x18]  }
0x1af: {  	[tilespmem:s11], [sflag:$0x1] =	stream.indirect.gather [hbm4b:s3+s5], $0x40, s31, s5, $0xb8;
	[tilespmem:$0x15900] =	vst v63  }
0x1b0: {  	s19 =	rddreg [dreg:$0x19]  }
0x1b1: {  	[tilespmem:s14], [sflag:$0x1] =	stream.indirect.gather [hbm4b:s3+s5], $0x40, s19, s5, $0xb8;
	[tilespmem:$0x15900] =	vst v63  }
0x1b2: {  	_ =	swait.ge [sflag:s18], $0xA000  }
0x1b3: {  	[sflag:s18] =	ssyncset.done $0x0  }
0x1b4: {  	s31 =	rddreg [dreg:$0x4];
	[sflag:s18] =	ssyncadd.s32 $0xFFFF6000  }
0x1b5: {  	[hbm4b:s31+s2] =	stream.linear.scatter [tilespmem:s6], [sflag:$0x4], $0xA000, $0x38;
	[tilespmem:$0x15900] =	vst v63  }
0x1b6: {  	_ =	swait.ge [sflag:s13], $0xA000  }
0x1b7: {  	[sflag:s13] =	ssyncset.done $0x0  }
0x1b8: {  	s1 =	rddreg [dreg:$0x1a];
	[sflag:s13] =	ssyncadd.s32 $0xFFFF6000  }
0x1b9: {  	[tilespmem:s6], [sflag:$0x2] =	stream.indirect.gather [hbm4b:s3+s5], $0x40, s1, s5, $0xb8;
	[tilespmem:$0x15900] =	vst v63  }
0x1ba: {  	s19 =	rddreg [dreg:$0x1b]  }
0x1bb: {  	[tilespmem:s10], [sflag:$0x2] =	stream.indirect.gather [hbm4b:s3+s5], $0x40, s19, s5, $0xb8;
	[tilespmem:$0x15900] =	vst v63  }
0x1bc: {  	s31 =	rddreg [dreg:$0x1c]  }
0x1bd: {  	[tilespmem:s12], [sflag:$0x2] =	stream.indirect.gather [hbm4b:s3+s5], $0x40, s31, s5, $0xb8;
	[tilespmem:$0x15900] =	vst v63  }
0x1be: {  	s19 =	rddreg [dreg:$0x1d]  }
0x1bf: {  	[tilespmem:s15], [sflag:$0x2] =	stream.indirect.gather [hbm4b:s3+s5], $0x40, s19, s5, $0xb8;
	[tilespmem:$0x15900] =	vst v63  }
0x1c0: {  	s31 =	rddreg [dreg:$0x1e]  }
0x1c1: {  	[tilespmem:s17], [sflag:$0x2] =	stream.indirect.gather [hbm4b:s3+s5], $0x40, s31, s5, $0xb8;
	[tilespmem:$0x15900] =	vst v63  }
0x1c2: {  	_ =	swait.ge [sflag:s16], $0xA000  }
0x1c3: {  	[sflag:s16] =	ssyncset.done $0x0  }
0x1c4: {  	s1 =	rddreg [dreg:$0x5];
	[sflag:s16] =	ssyncadd.s32 $0xFFFF6000  }
0x1c5: {  	[hbm4b:s1+s2] =	stream.linear.scatter [tilespmem:s4], [sflag:$0x3], $0xA000, $0x38;
	[tilespmem:$0x15900] =	vst v63  }
0x1c6: {  	_ =	swait.ge [sflag:s8], $0xA000  }
0x1c7: {  	s19 =	rddreg [dreg:$0x1f];
	[sflag:s8] =	ssyncset.done $0x0  }
0x1c8: {  	s31 =	sld [smem:$0x7EB];
	[sflag:s8] =	ssyncadd.s32 $0xFFFF6000  }
0x1c9: {  	[tilespmem:s4], [sflag:$0x1] =	stream.indirect.gather [hbm4b:s3+s5], $0x40, s19, s5, $0xb8;
	[tilespmem:$0x15900] =	vst v63  }
0x1ca: {  	s19 =	sld [smem:$0x7EC]  }
0x1cb: {  	[tilespmem:s7], [sflag:$0x1] =	stream.indirect.gather [hbm4b:s3+s5], $0x40, s31, s5, $0xb8;
	[tilespmem:$0x15900] =	vst v63  }
0x1cc: {  	s31 =	sld [smem:$0x7ED]  }
0x1cd: {  	[tilespmem:s9], [sflag:$0x1] =	stream.indirect.gather [hbm4b:s3+s5], $0x40, s19, s5, $0xb8;
	[tilespmem:$0x15900] =	vst v63  }
0x1ce: {  	s19 =	sld [smem:$0x7EE]  }
0x1cf: {  	[tilespmem:s11], [sflag:$0x1] =	stream.indirect.gather [hbm4b:s3+s5], $0x40, s31, s5, $0xb8;
	[tilespmem:$0x15900] =	vst v63  }
0x1d0: {  	_ = 	snop  }
0x1d1: {  	[tilespmem:s14], [sflag:$0x1] =	stream.indirect.gather [hbm4b:s3+s5], $0x40, s19, s5, $0xb8;
	[tilespmem:$0x15900] =	vst v63  }
0x1d2: {  	_ =	swait.ge [sflag:s18], $0xA000  }
0x1d3: {  	[sflag:s18] =	ssyncset.done $0x0  }
0x1d4: {  	s31 =	rddreg [dreg:$0x6];
	[sflag:s18] =	ssyncadd.s32 $0xFFFF6000  }
0x1d5: {  	[hbm4b:s31+s2] =	stream.linear.scatter [tilespmem:s6], [sflag:$0x4], $0xA000, $0x38;
	[tilespmem:$0x15900] =	vst v63  }
0x1d6: {  	_ =	swait.ge [sflag:s13], $0xA000  }
0x1d7: {  	s1 =	sld [smem:$0x7EF]  }
0x1d8: {  	[sflag:s13] =	ssyncset.done $0x0  }
0x1d9: {  	s19 =	sld [smem:$0x7F0];
	[sflag:s13] =	ssyncadd.s32 $0xFFFF6000  }
0x1da: {  	[tilespmem:s6], [sflag:$0x2] =	stream.indirect.gather [hbm4b:s3+s5], $0x40, s1, s5, $0xb8;
	[tilespmem:$0x15900] =	vst v63  }
0x1db: {  	s31 =	sld [smem:$0x7F1]  }
0x1dc: {  	[tilespmem:s10], [sflag:$0x2] =	stream.indirect.gather [hbm4b:s3+s5], $0x40, s19, s5, $0xb8;
	[tilespmem:$0x15900] =	vst v63  }
0x1dd: {  	s19 =	sld [smem:$0x7F2]  }
0x1de: {  	[tilespmem:s12], [sflag:$0x2] =	stream.indirect.gather [hbm4b:s3+s5], $0x40, s31, s5, $0xb8;
	[tilespmem:$0x15900] =	vst v63  }
0x1df: {  	s31 =	sld [smem:$0x7F3]  }
0x1e0: {  	[tilespmem:s15], [sflag:$0x2] =	stream.indirect.gather [hbm4b:s3+s5], $0x40, s19, s5, $0xb8;
	[tilespmem:$0x15900] =	vst v63  }
0x1e1: {  	_ = 	snop  }
0x1e2: {  	[tilespmem:s17], [sflag:$0x2] =	stream.indirect.gather [hbm4b:s3+s5], $0x40, s31, s5, $0xb8;
	[tilespmem:$0x15900] =	vst v63  }
0x1e3: {  	_ =	swait.ge [sflag:s16], $0xA000  }
0x1e4: {  	[sflag:s16] =	ssyncset.done $0x0  }
0x1e5: {  	s1 =	rddreg [dreg:$0x7];
	[sflag:s16] =	ssyncadd.s32 $0xFFFF6000  }
0x1e6: {  	[hbm4b:s1+s2] =	stream.linear.scatter [tilespmem:s4], [sflag:$0x3], $0xA000, $0x38;
	[tilespmem:$0x15900] =	vst v63  }
0x1e7: {  	_ =	swait.ge [sflag:s8], $0xA000  }
0x1e8: {  	s19 =	sld [smem:$0x7F4]  }
0x1e9: {  	[sflag:s8] =	ssyncset.done $0x0  }
0x1ea: {  	s31 =	sld [smem:$0x7F5];
	[sflag:s8] =	ssyncadd.s32 $0xFFFF6000  }
0x1eb: {  	[tilespmem:s4], [sflag:$0x1] =	stream.indirect.gather [hbm4b:s3+s5], $0x40, s19, s5, $0xb8;
	[tilespmem:$0x15900] =	vst v63  }
0x1ec: {  	s19 =	sld [smem:$0x7F6]  }
0x1ed: {  	[tilespmem:s7], [sflag:$0x1] =	stream.indirect.gather [hbm4b:s3+s5], $0x40, s31, s5, $0xb8;
	[tilespmem:$0x15900] =	vst v63  }
0x1ee: {  	s31 =	sld [smem:$0x7F7]  }
0x1ef: {  	[tilespmem:s9], [sflag:$0x1] =	stream.indirect.gather [hbm4b:s3+s5], $0x40, s19, s5, $0xb8;
	[tilespmem:$0x15900] =	vst v63  }
0x1f0: {  	s19 =	sld [smem:$0x7F8]  }
0x1f1: {  	[tilespmem:s11], [sflag:$0x1] =	stream.indirect.gather [hbm4b:s3+s5], $0x40, s31, s5, $0xb8;
	[tilespmem:$0x15900] =	vst v63  }
0x1f2: {  	_ = 	snop  }
0x1f3: {  	[tilespmem:s14], [sflag:$0x1] =	stream.indirect.gather [hbm4b:s3+s5], $0x40, s19, s5, $0xb8;
	[tilespmem:$0x15900] =	vst v63  }
0x1f4: {  	_ =	swait.ge [sflag:s18], $0xA000  }
0x1f5: {  	[sflag:s18] =	ssyncset.done $0x0  }
0x1f6: {  	s31 =	rddreg [dreg:$0x8];
	[sflag:s18] =	ssyncadd.s32 $0xFFFF6000  }
0x1f7: {  	[hbm4b:s31+s2] =	stream.linear.scatter [tilespmem:s6], [sflag:$0x4], $0xA000, $0x38;
	[tilespmem:$0x15900] =	vst v63  }
0x1f8: {  	_ =	swait.ge [sflag:s13], $0xA000  }
0x1f9: {  	s1 =	sld [smem:$0x7F9]  }
0x1fa: {  	[sflag:s13] =	ssyncset.done $0x0  }
0x1fb: {  	s19 =	sld [smem:$0x7FA];
	[sflag:s13] =	ssyncadd.s32 $0xFFFF6000  }
0x1fc: {  	[tilespmem:s6], [sflag:$0x2] =	stream.indirect.gather [hbm4b:s3+s5], $0x40, s1, s5, $0xb8;
	[tilespmem:$0x15900] =	vst v63  }
0x1fd: {  	s31 =	sld [smem:$0x7FB]  }
0x1fe: {  	[tilespmem:s10], [sflag:$0x2] =	stream.indirect.gather [hbm4b:s3+s5], $0x40, s19, s5, $0xb8;
	[tilespmem:$0x15900] =	vst v63  }
0x1ff: {  	s19 =	sld [smem:$0x7FC]  }
0x200: {  	[tilespmem:s12], [sflag:$0x2] =	stream.indirect.gather [hbm4b:s3+s5], $0x40, s31, s5, $0xb8;
	[tilespmem:$0x15900] =	vst v63  }
0x201: {  	s31 =	sld [smem:$0x7FD]  }
0x202: {  	[tilespmem:s15], [sflag:$0x2] =	stream.indirect.gather [hbm4b:s3+s5], $0x40, s19, s5, $0xb8;
	[tilespmem:$0x15900] =	vst v63  }
0x203: {  	_ = 	snop  }
0x204: {  	[tilespmem:s17], [sflag:$0x2] =	stream.indirect.gather [hbm4b:s3+s5], $0x40, s31, s5, $0xb8;
	[tilespmem:$0x15900] =	vst v63  }
0x205: {  	_ =	swait.ge [sflag:s16], $0xA000  }
0x206: {  	[sflag:s16] =	ssyncset.done $0x0  }
0x207: {  	s19 =	rddreg [dreg:$0x9];
	[sflag:s16] =	ssyncadd.s32 $0xFFFF6000  }
0x208: {  	[hbm4b:s19+s2] =	stream.linear.scatter [tilespmem:s4], [sflag:$0x3], $0xA000, $0x38;
	[tilespmem:$0x15900] =	vst v63  }
0x209: {  	_ =	swait.ge [sflag:s8], $0xA000  }
0x20a: {  	[sflag:s8] =	ssyncset.done $0x0  }
0x20b: {  	[sflag:s8] =	ssyncadd.s32 $0xFFFF6000  }
0x20c: {  	[tilespmem:s4], [sflag:$0x1] =	stream.indirect.gather [hbm4b:s3+s5], $0x40, s26, s5, $0xb8;
	[tilespmem:$0x15900] =	vst v63  }
0x20d: {  	_ = 	snop  }
0x20e: {  	[tilespmem:s7], [sflag:$0x1] =	stream.indirect.gather [hbm4b:s3+s5], $0x40, s28, s5, $0xb8;
	[tilespmem:$0x15900] =	vst v63  }
0x20f: {  	_ = 	snop  }
0x210: {  	[tilespmem:s9], [sflag:$0x1] =	stream.indirect.gather [hbm4b:s3+s5], $0x40, s29, s5, $0xb8;
	[tilespmem:$0x15900] =	vst v63  }
0x211: {  	_ = 	snop  }
0x212: {  	[tilespmem:s11], [sflag:$0x1] =	stream.indirect.gather [hbm4b:s3+s5], $0x40, s30, s5, $0xb8;
	[tilespmem:$0x15900] =	vst v63  }
0x213: {  	_ = 	snop  }
0x214: {  	[tilespmem:s14], [sflag:$0x1] =	stream.indirect.gather [hbm4b:s3+s5], $0x40, s25, s5, $0xb8;
	[tilespmem:$0x15900] =	vst v63  }
0x215: {  	_ =	swait.ge [sflag:s18], $0xA000  }
0x216: {  	[sflag:s18] =	ssyncset.done $0x0  }
0x217: {  	s28 =	rddreg [dreg:$0xa];
	[sflag:s18] =	ssyncadd.s32 $0xFFFF6000  }
0x218: {  	[hbm4b:s28+s2] =	stream.linear.scatter [tilespmem:s6], [sflag:$0x4], $0xA000, $0x38;
	[tilespmem:$0x15900] =	vst v63  }
0x219: {  	_ =	swait.ge [sflag:s13], $0xA000  }
0x21a: {  	[sflag:s13] =	ssyncset.done $0x0  }
0x21b: {  	[sflag:s13] =	ssyncadd.s32 $0xFFFF6000  }
0x21c: {  	[tilespmem:s6], [sflag:$0x2] =	stream.indirect.gather [hbm4b:s3+s5], $0x40, s21, s5, $0xb8;
	[tilespmem:$0x15900] =	vst v63  }
0x21d: {  	_ = 	snop  }
0x21e: {  	[tilespmem:s10], [sflag:$0x2] =	stream.indirect.gather [hbm4b:s3+s5], $0x40, s22, s5, $0xb8;
	[tilespmem:$0x15900] =	vst v63  }
0x21f: {  	_ = 	snop  }
0x220: {  	[tilespmem:s12], [sflag:$0x2] =	stream.indirect.gather [hbm4b:s3+s5], $0x40, s23, s5, $0xb8;
	[tilespmem:$0x15900] =	vst v63  }
0x221: {  	_ = 	snop  }
0x222: {  	[tilespmem:s15], [sflag:$0x2] =	stream.indirect.gather [hbm4b:s3+s5], $0x40, s24, s5, $0xb8;
	[tilespmem:$0x15900] =	vst v63  }
0x223: {  	s29 =	simm.s32 $0x1880  }
0x224: {  	[tilespmem:s17], [sflag:$0x2] =	stream.indirect.gather [hbm4b:s3+s5], $0x40, s29, s5, $0xb8;
	[tilespmem:$0x15900] =	vst v63  }
0x225: {  	_ =	swait.ge [sflag:s16], $0xA000  }
0x226: {  	[sflag:s16] =	ssyncset.done $0x0  }
0x227: {  	s30 =	rddreg [dreg:$0xb];
	[sflag:s16] =	ssyncadd.s32 $0xFFFF6000  }
0x228: {  	[hbm4b:s30+s2] =	stream.linear.scatter [tilespmem:s4], [sflag:$0x3], $0xA000, $0x38;
	[tilespmem:$0x15900] =	vst v63  }
0x229: {  	_ =	swait.ge [sflag:s18], $0xA000  }
0x22a: {  	[sflag:s18] =	ssyncset.done $0x0  }
0x22b: {  	s31 =	rddreg [dreg:$0xc];
	[sflag:s18] =	ssyncadd.s32 $0xFFFF6000  }
0x22c: {  	[hbm4b:s31+s2] =	stream.linear.scatter [tilespmem:s6], [sflag:$0x4], $0xA000, $0x38;
	[tilespmem:$0x15900] =	vst v63  }
0x22d: {  	_ =	swait.ge [sflag:s8], $0xA000  }
0x22e: {  	[sflag:s8] =	ssyncset.done $0x0  }
0x22f: {  	[sflag:s8] =	ssyncadd.s32 $0xFFFF6000  }
0x230: {  	_ =	swait.ge [sflag:s13], $0xA000  }
0x231: {  	[sflag:s13] =	ssyncset.done $0x0  }
0x232: {  	[sflag:s13] =	ssyncadd.s32 $0xFFFF6000  }
0x233: {  	_ =	sfence.sel $0x180000  }
0x234: {  	[bflag:$0x0] =	sbarrier.arrive $0xFFFF  }
0x235: {  	_ =	strace $0x90000047  }
0x236: {  	[bflag:$0x2] =	sbarrier.arrive $0xFFFF  }
0x237: {  	p0 =	sne.s32 s20, $0x0;
	s0 =	rddreg [dreg:$0x2]  }
0x238: {  	s0 =	sadd.s32 @!p0 $0x100000, s0  }
0x239: {  	[sflag:s0] =	ssyncadd.tile.s32 @!p0 $0x1;
	_ =	shalt  }
.LBB2_1:
.Ltmp3:
0x23a: {  	(pc) =	sbr.rel .LBB2_6-.Ltmp3, $4  }
0x23b: {  	_ = 	snop  }
0x23c: {  	s25 =	simm.s32 $0x1600;
	s30 =	simm.s32 $0x1580;
	s29 =	simm.s32 $0x1500  }
0x23d: {  	s28 =	simm.s32 $0x1480;
	s26 =	simm.s32 $0x1400;
	s24 =	simm.s32 $0x1800  }
0x23e: {  	s23 =	simm.s32 $0x1780;
	s22 =	simm.s32 $0x1700;
	s21 =	simm.s32 $0x1680  }
.LBB2_3:
.Ltmp4:
0x23f: {  	(pc) =	sbr.rel .LBB2_6-.Ltmp4, $4  }
0x240: {  	s25 =	simm.s32 $0x1600  }
0x241: {  	s30 =	simm.s32 $0x1580;
	s29 =	simm.s32 $0x1500;
	s28 =	simm.s32 $0x1480  }
0x242: {  	s26 =	simm.s32 $0x1400;
	s24 =	simm.s32 $0x1800;
	s23 =	simm.s32 $0x1780  }
0x243: {  	s22 =	simm.s32 $0x1700;
	s21 =	simm.s32 $0x1680;
	s20 =	stileid.u32  }
.Lfunc_end2:
_tile_overlayer_lowered:
.L_overlay_start_2:
0x244: {  	(tag) =	ssettag $0x2  }
0x245: {  	s0 =	rddreg [dreg:$0x0];
	s2 =	stileid.u32  }
0x246: {  	s1 =	rddreg [dreg:$0x1];
	p0 =	sne.s32 s2, $0x0  }
0x247: {  	s3 =	rddreg [dreg:$0x2];
	[bflag:$0x3] =	sbarrier.arrive $0xFFFF;
	s2 =	simm.s32 @!p0 $0x1C05  }
0x248: {  	[timem:s3], [sflag:s2] =	dma.local @!p0 [hbm:s0], s1  }
0x249: {  	s0 =	simm.s32 @!p0 $0x5  }
0x24a: {  	_ =	swait.ge @!p0 [sflag:s0], s1  }
0x24b: {  	s1 =	ssub.s32 @!p0 $0x0, s1;
	[sflag:s0] =	ssyncset.done @!p0 $0x0  }
0x24c: {  	[sflag:s0] =	ssyncadd.s32 @!p0 s1  }
0x24d: {  	[bflag:$0x3] =	sbarrier.arrive $0xFFFF  }
0x24e: {  	_ =	shalt  }

// kernel: sparse-core-data-format-call.cloned.1.call-start
scs
called_computation_lowered:
.L_overlay_start_0:
0x0: {  	s2 =	sld [smem:$0x3FD9]  }
0x1: {  	s3 =	sld [smem:$0x3FFE];
	_ =	sdelay $0x1  }
0x2: {  	s1 =	srdreg.scid  }
0x3: {  	s0 =	sand.u32 $0x1, s1  }
0x4: {  	s18 =	sshll.u32 s0, $0xA;
	s2 =	sadd.s32 s3, s2  }
0x5: {  	s2 =	sadd.s32 s2, s18  }
0x6: {  	[smem:$0x3FC6] =	sst s2  }
0x7: {  	_ = 	snop  }
0x8: {  	s2 =	sld [smem:$0x3FD0];
	(tm) =	ssettm $0x1  }
0x9: {  	s19 =	sld [smem:$0x3FFB];
	_ =	sdelay $0x3  }
0xa: {  	_ =	strace s19  }
0xb: {  	s3 =	sld [smem:$0x3FFC];
	_ =	sdelay $0x3  }
0xc: {  	_ =	strace s3  }
0xd: {  	s3 =	sld [smem:$0x3FFD];
	_ =	sdelay $0x3  }
0xe: {  	_ =	strace s3  }
0xf: {  	_ =	strace $0x8FFFFFFF  }
0x10: {  	s20 =	sld [smem:$0x3FDB];
	_ =	sdelay $0x1  }
0x11: {  	s4 =	simm.s32 $_scs_section_size  }
0x12: {  	s5 =	simm.s32 $_size__tile_overlayer_lowered;
	s6 =	simm.s32 $_tile_overlayer_lowered  }
0x13: {  	s23 =	simm.s32 $0x1BFF;
	s22 =	sshll.u32 s6, $0x1;
	s3 =	sadd.s32 s4, s20  }
0x14: {  	s7 =	simm.s32 $0x0;
	s21 =	sshll.u32 s5, $0x1;
	s5 =	sadd.s32 s22, s3  }
0x15: {  	[timem:s7], [sflag:s23] =	dma.local [hbm:s5], s21  }
0x16: {  	_ =	swait.ge [sflag:s23], s21  }
0x17: {  	s4 =	ssub.s32 $0x0, s21;
	[sflag:s23] =	ssyncset.done $0x0  }
0x18: {  	[sflag:s23] =	ssyncadd.s32 s4;
	_ =	sdelay $0x1  }
0x19: {  	s24 =	simm.s32 $0x1B8B  }
0x1a: {  	_ =	swait.ge [sflag:s24], $0x1  }
0x1b: {  	[sflag:s24] =	ssyncset.done $0x0  }
0x1c: {  	s26 =	simm.s32 $0x1B8E;
	s25 =	sld [smem:$0x3FFE];
	[sflag:s24] =	ssyncadd.s32 $0xFFFFFFFF  }
0x1d: {  	s27 =	simm.s32 $execute0_lowered;
	[smem:$0x3FD2] =	sst s26  }
0x1e: {  	s5 =	sshll.u32 s27, $0x1;
	_ =	strace $0x80000049;
	[dreg:$0x1] =	wrdreg $0xFFFFFFFF  }
0x1f: {  	s28 =	simm.s32 $_size_execute0_lowered;
	s3 =	sadd.s32 s3, s5;
	[dreg:$0x0] =	wrdreg $0x0  }
0x20: {  	s5 =	sshll.u32 s28, $0x1;
	[dreg:$0x2] =	wrdreg s3  }
0x21: {  	[dreg:$0x3] =	wrdreg s5  }
0x22: {  	[dreg:$0x4] =	wrdreg $0xC0  }
0x23: {  	_ =	task [dreg:s7], $0x5FFFF  }
0x24: {  	[dreg:$0x1] =	wrdreg $0xFFFFFFFF  }
0x25: {  	[dreg:$0x0] =	wrdreg $0x60  }
0x26: {  	[dreg:$0x2] =	wrdreg s25  }
0x27: {  	[dreg:$0x3] =	wrdreg s2  }
0x28: {  	[dreg:$0x4] =	wrdreg $0x9  }
0x29: {  	_ =	task.clear_ibuf [dreg:s7], $0x5FFFF;
	_ =	strace $0x90000049  }
0x2a: {  	s29 =	simm.s32 $0x9;
	_ =	strace $0x8000004B  }
0x2b: {  	_ =	swait.ge [sflag:s29], $0x1  }
0x2c: {  	[sflag:s29] =	ssyncadd.s32 $0xFFFFFFFF  }
0x2d: {  	_ =	strace $0x9000004B  }
0x2e: {  	_ =	sfence  }
0x2f: {  	s30 =	sld [smem:$0x0];
	_ =	sdelay $0x2  }
0x30: {  	s31 =	sshll.u32 s1, $0xD;
	s1 =	sshrl.u32 s1, $0x2  }
0x31: {  	s3 =	sand.u32 $0x4000, s31;
	s1 =	sadd.s32 s1, s30  }
0x32: {  	s0 =	sor.u32 s3, s0;
	s1 =	sshll.u32 s1, $0x11  }
0x33: {  	s0 =	sor.u32 s1, s0  }
0x34: {  	s0 =	sadd.s32 $0x8F2B, s0  }
0x35: {  	[sflag:s0] =	ssyncadd.remote.s32 $0x1  }
0x36: {  	_ =	sfence.sel $0xFFFF  }
0x37: {  	[dreg:$0x0] =	wrdreg $0xFFFFFFFF;
	(pc) =	sbr.abs _section_cstart, $3  }
0x38: {  	[dreg:$0x1] =	wrdreg $0xFFFFFFFF  }
0x39: {  	_ =	task.clear_ibuf [dreg:s7], $0x2FFFF;
	_ =	strace $0x9FFFFFFF  }
0x3a: {  	(tm) =	ssettm $0x7FFFFFFF  }
0x3b: {  	_ =	shalt  }
tec
execute0_lowered:
.L_overlay_start_1:
0x0: {  	(tag) =	ssettag $0x1  }
0x1: {  	s0 =	srdreg.scid  }
0x2: {  	s1 =	sshll.u32 s0, $0x4  }
0x3: {  	s4 =	rddreg [dreg:$0x0];
	s0 =	stileid.u32;
	s1 =	sand.u32 $0x10, s1  }
0x4: {  	s2 =	rddreg [dreg:$0x1];
	s7 =	simm.s32 $0x1;
	s1 =	sor.u32 s0, s1  }
0x5: {  	s8 =	simm.s32 $0x2;
	s11 =	simm.s32 $0x0;
	s3 =	sshll.u32 s1, $0x7  }
0x6: {  	s10 =	simm.s32 $0x0;
	s4 =	sadd.s32 $0xA00, s4;
	s6 =	ssub.s32 $0x32000, s3  }
.Ltmp0:
0x7: {  	s1 =	rddreg [dreg:$0x2];
	s5 =	sand.u32 $0xF80, s6;
	(pc) =	sbr.rel .LBB1_1-.Ltmp0, $4  }
0x8: {  	_ =	strace $0x8000004A;
	s9 =	smov.u32 s3;
	p0 =	sne.s32 s5, $0x0  }
0x9: {  	s6 =	sshrl.u32 s6, $0xC;
	s5 =	simm.s32 $0x1;
	s7 =	simm.s32 @!p0 $0x0  }
0xa: {  	[sflag:s5] =	ssyncpa.u1 $0x0;
	p0 =	por $0x0, $0x0;
	s6 =	sadd.s32 s7, s6  }
0xb: {  	[sflag:s8] =	ssyncpa.u1 $0x0;
	s8 =	simm.s32 $0x190000;
	s7 =	sadd.s32 $0x1, s6  }
.LBB1_4:
0xc: {  	s14 =	sshll.u32 s11, $0x3  }
0xd: {  	s30 =	sand.u32 $0x7F, s11;
	s15 =	sand.u32 $0xFFFFFC00, s14  }
0xe: {  	s11 =	sor.u32 s30, s15  }
0xf: {  	s15 =	smulhi.u32 $0x51EB851F, s11  }
0x10: {  	s14 =	smulhi.u32 $0x51EB851F, s14  }
0x11: {  	s15 =	sshrl.u32 s15, $0x10  }
0x12: {  	s14 =	sshrl.u32 s14, $0x10;
	s15 =	smul.u32 $0x32000, s15  }
0x13: {  	s14 =	sand.u32 $0x3F, s14  }
0x14: {  	s14 =	smul.u32 $0x6400, s14;
	s11 =	ssub.s32 s11, s15  }
0x15: {  	[tilespmem:s13+$0x810 ss:$0x81] =	vst.msk $0xffff, v2;
	s15 =	sand.u32 $0x7, s11  }
0x16: {  	[tilespmem:s13+$0x1020 ss:$0x81] =	vst.msk $0xffff, v0;
	s14 =	sadd.s32 s2, s14;
	s11 =	sshrl.u32 s11, $0x3;
	s15 =	sshll.u32 s15, $0x12  }
0x17: {  	[tilespmem:s13+$0x0 ss:$0x81] =	vst.msk $0xffff, v1;
	s11 =	sadd.s32 s11, s14;
	s31 =	sor.u32 $0x400, s15  }
0x18: {  	[hbm4b:s11+s31] =	stream.strided.scatter [tilespmem:s12], [sflag:$0x2], $0x2000, s8, s31, $0x20;
	[tilespmem:$0x8080] =	vst v63  }
.LBB1_5:
0x19: {  	s13 =	sadd.s32 $0x1000, s9  }
0x1a: {  	p2 =	sgt.s32 s13, $0x31FFF  }
0x1b: {  	s13 =	smov.u32 @p2 s3;
	p2 =	sne.s32 s10, s7  }
.Ltmp1:
0x1c: {  	p1 =	slt.u32 s10, $0x2;
	(pc) =	sbr.rel @!p2 .LBB1_6-.Ltmp1, $4  }
0x1d: {  	s12 =	simm.s32 @!p1 $0x2  }
0x1e: {  	s14 =	sadd.s32 $0x1, s10;
	_ =	swait.ge @!p1 [sflag:s12], $0x2000  }
0x1f: {  	s11 =	smov.u32 s9;
	p0 =	por !p0, !p0;
	[sflag:s12] =	ssyncset.done @!p1 $0x0  }
0x20: {  	s10 =	smov.u32 s14;
	s9 =	smov.u32 s13;
	[sflag:s12] =	ssyncadd.s32 @!p1 $0xFFFFE000  }
.LBB1_1:
0x21: {  	p1 =	sge.u32 s10, s6  }
0x22: {  	s12 =	sand.u32 @!p1 $0x1FFFFFF, s9  }
0x23: {  	s13 =	smulhi.u32 @!p1 $0x147AE15, s12;
	_ =	sdelay $0x1  }
0x24: {  	s13 =	sshrl.u32 @!p1 s13, $0xA  }
0x25: {  	s13 =	smul.u32 @!p1 $0x32000, s13;
	_ =	sdelay $0x1  }
0x26: {  	s31 =	sadd.s32 $0xFFFFFFFF, s10;
	s14 =	sxor.u32 @!p1 $0xFFFFFFFF, s10;
	s12 =	ssub.s32 @!p1 s12, s13  }
0x27: {  	s15 =	simm.s32 @!p1 $0x80;
	s14 =	sshll.u32 @!p1 s14, $0xD;
	s12 =	sshll.u32 @!p1 s12, $0x4  }
0x28: {  	s13 =	sand.u32 @!p1 $0x2000, s14;
	s14 =	simm.s32 @!p1 $0x40;
	s12 =	sadd.s32 @!p1 s4, s12  }
0x29: {  	[tilespmem:s13], [sflag:$0x1] =	stream.strided.gather @!p1 [hbm4b:s12+s14], $0x2000, s15, s14, $0x38;
	[tilespmem:$0x8080] =	vst v63  }
0x2a: {  	p1 =	sge.u32 s31, s6  }
.Ltmp2:
0x2b: {  	_ = 	snop;
	(pc) =	sbr.rel @p1 .LBB1_5-.Ltmp2, $1  }
0x2c: {  	_ =	sdelay $0x3  }
0x2d: {  	s12 =	simm.s32 $0x1  }
0x2e: {  	_ =	swait.ge [sflag:s5], $0x2000;
	s12 =	simm.s32 @!p0 $0x0  }
0x2f: {  	[sflag:s5] =	ssyncset.done $0x0;
	s13 =	sshll.u32 s12, $0xD  }
0x30: {  	[sflag:s5] =	ssyncadd.s32 $0xFFFFE000;
	s16 =	sor.u32 $0x20, s13  }
0x31: {  	s12 =	smul.u32 $0x8100, s12;
	v3 =	vld [tilespmem:s16+$0x10]  }
0x32: {  	s30 =	sand.u32 $0x1, s10;
	v2 =	vld [tilespmem:s16+$0xFFFFFFF0]  }
0x33: {  	s13 =	smul.u32 $0x8100, s30;
	s12 =	sshrl.u32 s12, $0x2;
	v0 =	vld [tilespmem:s16+$0x0]  }
0x34: {  	v1 =	vld [tilespmem:s16+$0xFFFFFFE0];
	s14 =	sor.u32 $0x4000, s12  }
0x35: {  	s31 =	sshrl.u32 s13, $0x2;
	s13 =	sadd.s32 $0x0, s14  }
0x36: {  	s15 =	simm.s32 $0x4;
	s16 =	sadd.s32 $0x40, s16;
	s12 =	sor.u32 $0x4000, s31;
	[tilespmem:s13+$0x1830 ss:$0x81] =	vst.msk $0xffff, v3  }
.LBB1_3:
0x37: {  	v3 =	vld [tilespmem:s16+$0x10];
	p1 =	sne.s32 s15, $0x1FC;
	[tilespmem:s13+$0x810 ss:$0x81] =	vst.msk $0xffff, v2;
	s17 =	smov.u32 s15;
	s15 =	sadd.s32 $0x4, s15  }
.Ltmp3:
0x38: {  	v2 =	vld [tilespmem:s16+$0xFFFFFFF0];
	[tilespmem:s13+$0x1020 ss:$0x81] =	vst.msk $0xffff, v0;
	(pc) =	sbr.rel @p1 .LBB1_3-.Ltmp3, $4  }
0x39: {  	v0 =	vld [tilespmem:s16+$0x0];
	[tilespmem:s13+$0x0 ss:$0x81] =	vst.msk $0xffff, v1  }
0x3a: {  	s13 =	sshra.s32 s17, $0x2;
	v1 =	vld [tilespmem:s16+$0xFFFFFFE0]  }
0x3b: {  	s13 =	sadd.s32 s13, s14  }
0x3c: {  	s16 =	sadd.s32 $0x40, s16;
	[tilespmem:s13+$0x1830 ss:$0x81] =	vst.msk $0xffff, v3  }
.Ltmp4:
0x3d: {  	_ = 	snop;
	(pc) =	sbr.rel .LBB1_4-.Ltmp4, $1  }
0x3e: {  	_ =	sdelay $0x3  }
.LBB1_6:
0x3f: {  	_ =	sfence.sel $0x180000  }
0x40: {  	s2 =	simm.s32 $0x1;
	[bflag:$0x0] =	sbarrier.arrive $0xFFFF  }
0x41: {  	s31 =	simm.s32 $0x2;
	[sflag:s2] =	ssyncpa.u1 $0x1  }
0x42: {  	[sflag:s31] =	ssyncpa.u1 $0x1  }
0x43: {  	p0 =	sne.s32 s0, $0x0;
	_ =	strace $0x9000004A  }
0x44: {  	s0 =	sadd.s32 @!p0 $0x100000, s1;
	[bflag:$0x2] =	sbarrier.arrive $0xFFFF  }
0x45: {  	[sflag:s0] =	ssyncadd.tile.s32 @!p0 $0x1;
	_ =	shalt  }
.Lfunc_end1:
_tile_overlayer_lowered:
.L_overlay_start_2:
0x46: {  	(tag) =	ssettag $0x2  }
0x47: {  	s0 =	rddreg [dreg:$0x0];
	s2 =	stileid.u32  }
0x48: {  	s1 =	rddreg [dreg:$0x1];
	p0 =	sne.s32 s2, $0x0  }
0x49: {  	s3 =	rddreg [dreg:$0x2];
	[bflag:$0x3] =	sbarrier.arrive $0xFFFF;
	s2 =	simm.s32 @!p0 $0x1C01  }
0x4a: {  	[timem:s3], [sflag:s2] =	dma.local @!p0 [hbm:s0], s1  }
0x4b: {  	s0 =	simm.s32 @!p0 $0x1  }
0x4c: {  	_ =	swait.ge @!p0 [sflag:s0], s1  }
0x4d: {  	s1 =	ssub.s32 @!p0 $0x0, s1;
	[sflag:s0] =	ssyncset.done @!p0 $0x0  }
0x4e: {  	[sflag:s0] =	ssyncadd.s32 @!p0 s1  }
0x4f: {  	[bflag:$0x3] =	sbarrier.arrive $0xFFFF  }
0x50: {  	_ =	shalt  }

</sc_bundles>
